<compile_context>
chip_gen: v7x
topology: tpu7x:2x2x1
jax: 0.10.2.dev20260603
libtpu: 0.0.44.dev20260713+nightly
codegen_flags: <defaults>
</compile_context>

<pallas_src>
import jax
import jax.numpy as jnp
from jax.experimental import pallas as pl

F = 100000
B = 4096


def _convert_body(x_ref, o_ref):
    x = x_ref[...]
    a1x, a1y, a1z = x[0], x[1], x[2]
    a2x, a2y, a2z = x[3], x[4], x[5]
    n1 = jnp.sqrt(a1x * a1x + a1y * a1y + a1z * a1z)
    b1x, b1y, b1z = a1x / n1, a1y / n1, a1z / n1
    d = b1x * a2x + b1y * a2y + b1z * a2z
    u2x, u2y, u2z = a2x - d * b1x, a2y - d * b1y, a2z - d * b1z
    n2 = jnp.sqrt(u2x * u2x + u2y * u2y + u2z * u2z)
    b2x, b2y, b2z = u2x / n2, u2y / n2, u2z / n2
    b3x = b1y * b2z - b1z * b2y
    b3y = b1z * b2x - b1x * b2z
    b3z = b1x * b2y - b1y * b2x
    m00, m01, m02 = b1x, b1y, b1z
    m10, m11, m12 = b2x, b2y, b2z
    m20, m21, m22 = b3x, b3y, b3z
    t0 = 1.0 + m00 + m11 + m22
    t1 = 1.0 + m00 - m11 - m22
    t2 = 1.0 - m00 + m11 - m22
    t3 = 1.0 - m00 - m11 + m22
    zero = jnp.zeros_like(t0)
    qa0 = jnp.sqrt(jnp.maximum(t0, zero))
    qa1 = jnp.sqrt(jnp.maximum(t1, zero))
    qa2 = jnp.sqrt(jnp.maximum(t2, zero))
    qa3 = jnp.sqrt(jnp.maximum(t3, zero))
    flr = 0.1
    d0 = 2.0 * jnp.maximum(qa0, flr)
    d1 = 2.0 * jnp.maximum(qa1, flr)
    d2 = 2.0 * jnp.maximum(qa2, flr)
    d3 = 2.0 * jnp.maximum(qa3, flr)
    c0w, c0x, c0y, c0z = qa0 * qa0 / d0, (m21 - m12) / d0, (m02 - m20) / d0, (m10 - m01) / d0
    c1w, c1x, c1y, c1z = (m21 - m12) / d1, qa1 * qa1 / d1, (m10 + m01) / d1, (m02 + m20) / d1
    c2w, c2x, c2y, c2z = (m02 - m20) / d2, (m10 + m01) / d2, qa2 * qa2 / d2, (m12 + m21) / d2
    c3w, c3x, c3y, c3z = (m10 - m01) / d3, (m20 + m02) / d3, (m21 + m12) / d3, qa3 * qa3 / d3
    cur = qa0
    qw, qx, qy, qz = c0w, c0x, c0y, c0z
    for qa, cw, cx, cy, cz in ((qa1, c1w, c1x, c1y, c1z),
                               (qa2, c2w, c2x, c2y, c2z),
                               (qa3, c3w, c3x, c3y, c3z)):
        p = qa > cur
        qw = jnp.where(p, cw, qw)
        qx = jnp.where(p, cx, qx)
        qy = jnp.where(p, cy, qy)
        qz = jnp.where(p, cz, qz)
        cur = jnp.maximum(qa, cur)
    norms = jnp.sqrt(qx * qx + qy * qy + qz * qz)
    half = jnp.arctan2(norms, qw)
    angles = 2.0 * half
    small = jnp.abs(angles) < 1e-6
    safe = jnp.where(small, jnp.ones_like(angles), angles)
    sino = jnp.where(small, 0.5 - angles * angles / 48.0, jnp.sin(half) / safe)
    o_ref[...] = jnp.stack([qx / sino, qy / sino, qz / sino], axis=0)


_LANES = 512
_ROWS = 40


def _tc_convert(d6t):
    n = d6t.shape[1]
    r = n // _LANES
    x3 = d6t.reshape(6, r, _LANES)
    grid = r // _ROWS
    out = pl.pallas_call(
        _convert_body,
        grid=(grid,),
        in_specs=[pl.BlockSpec((6, _ROWS, _LANES), lambda i: (0, i, 0))],
        out_specs=pl.BlockSpec((3, _ROWS, _LANES), lambda i: (0, i, 0)),
        out_shape=jax.ShapeDtypeStruct((3, r, _LANES), jnp.float32),
    )(x3)
    return out.reshape(3, n)


def kernel(root_pose, body_pose, jaw_pose, leye_pose, reye_pose, lhand_pose,
           rhand_pose, expr, trans, splits, frame_idxs):
    idx = frame_idxs.astype(jnp.int32)
    g_root = jnp.take(root_pose, idx, axis=0)
    g_body = jnp.take(body_pose, idx, axis=0)
    g_jaw = jnp.take(jaw_pose, idx, axis=0)
    g_leye = jnp.take(leye_pose, idx, axis=0)
    g_reye = jnp.take(reye_pose, idx, axis=0)
    g_lh = jnp.take(lhand_pose, idx, axis=0)
    g_rh = jnp.take(rhand_pose, idx, axis=0)
    g_expr = jnp.take(expr, idx, axis=0)
    g_trans = jnp.take(trans, idx, axis=0)
    d6 = jnp.concatenate([
        g_root,
        g_body.reshape(B * 21, 6),
        g_jaw,
        g_leye,
        g_reye,
        g_lh.reshape(B * 15, 6),
        g_rh.reshape(B * 15, 6),
    ], axis=0)
    aa = _tc_convert(d6.T).T
    o_root = aa[:B]
    o_body = aa[B:22 * B].reshape(B, 21, 3)
    o_jaw = aa[22 * B:23 * B]
    o_leye = aa[23 * B:24 * B]
    o_reye = aa[24 * B:25 * B]
    o_lh = aa[25 * B:40 * B].reshape(B, 15, 3)
    o_rh = aa[40 * B:55 * B].reshape(B, 15, 3)
    return (o_root, o_body, o_jaw, o_leye, o_reye, o_lh, o_rh, g_expr, g_trans)

# --- scband reference (transcript-rebuilt; emitter-appended) ---
"""Pipeline reference for scband-smplxparam-dict-42838003810606 (READ-ONLY COPY).

The authoritative reference and input builder live on the scoring server;
editing this copy changes nothing except your own understanding.
"""

import jax, jax.numpy as jnp
import numpy as np

F = 100000
B = 4096


def rotation_6d_to_matrix(d6):
    a1 = d6[..., :3]
    a2 = d6[..., 3:]
    b1 = a1 / jnp.linalg.norm(a1, axis=-1, keepdims=True)
    b2 = a2 - jnp.sum(b1 * a2, axis=-1, keepdims=True) * b1
    b2 = b2 / jnp.linalg.norm(b2, axis=-1, keepdims=True)
    b3 = jnp.cross(b1, b2)
    return jnp.stack([b1, b2, b3], axis=-2)


def matrix_to_quaternion(m):
    m00 = m[..., 0, 0]; m11 = m[..., 1, 1]; m22 = m[..., 2, 2]
    m21 = m[..., 2, 1]; m12 = m[..., 1, 2]; m02 = m[..., 0, 2]
    m20 = m[..., 2, 0]; m10 = m[..., 1, 0]; m01 = m[..., 0, 1]
    q_abs = jnp.sqrt(jnp.maximum(jnp.stack([
        1.0 + m00 + m11 + m22,
        1.0 + m00 - m11 - m22,
        1.0 - m00 + m11 - m22,
        1.0 - m00 - m11 + m22], axis=-1), 0.0))
    quat_by_rijk = jnp.stack([
        jnp.stack([q_abs[..., 0] ** 2, m21 - m12, m02 - m20, m10 - m01], axis=-1),
        jnp.stack([m21 - m12, q_abs[..., 1] ** 2, m10 + m01, m02 + m20], axis=-1),
        jnp.stack([m02 - m20, m10 + m01, q_abs[..., 2] ** 2, m12 + m21], axis=-1),
        jnp.stack([m10 - m01, m20 + m02, m21 + m12, q_abs[..., 3] ** 2], axis=-1),
    ], axis=-2)
    flr = 0.1
    quat_candidates = quat_by_rijk / (2.0 * jnp.maximum(q_abs[..., None], flr))
    best = jnp.argmax(q_abs, axis=-1)
    return jnp.take_along_axis(quat_candidates, best[..., None, None], axis=-2)[..., 0, :]


def quaternion_to_axis_angle(q):
    norms = jnp.linalg.norm(q[..., 1:], axis=-1, keepdims=True)
    half_angles = jnp.arctan2(norms, q[..., 0:1])
    angles = 2.0 * half_angles
    eps = 1e-6
    small = jnp.abs(angles) < eps
    safe_angles = jnp.where(small, jnp.ones_like(angles), angles)
    sin_half_over_angles = jnp.where(small, 0.5 - angles * angles / 48.0, jnp.sin(half_angles) / safe_angles)
    return q[..., 1:] / sin_half_over_angles


def matrix_to_axis_angle(m):
    return quaternion_to_axis_angle(matrix_to_quaternion(m))


def setup_inputs(seed: int = 0) -> dict:
    key = jax.random.key(seed)
    ks = jax.random.split(key, 16)
    inp = {}
    inp['root_pose'] = jax.random.normal(ks[0], (F, 6), dtype=jnp.float32)
    inp['body_pose'] = jax.random.normal(ks[1], (F, 21, 6), dtype=jnp.float32)
    inp['jaw_pose'] = jax.random.normal(ks[2], (F, 6), dtype=jnp.float32)
    inp['leye_pose'] = jax.random.normal(ks[3], (F, 6), dtype=jnp.float32)
    inp['reye_pose'] = jax.random.normal(ks[4], (F, 6), dtype=jnp.float32)
    inp['lhand_pose'] = jax.random.normal(ks[5], (F, 15, 6), dtype=jnp.float32)
    inp['rhand_pose'] = jax.random.normal(ks[6], (F, 15, 6), dtype=jnp.float32)
    inp['expr'] = jax.random.normal(ks[7], (F, 50), dtype=jnp.float32)
    inp['trans'] = jax.random.normal(ks[8], (F, 3), dtype=jnp.float32)
    inp['splits'] = jnp.zeros((B,), dtype=jnp.int64 if jax.config.jax_enable_x64 else jnp.int32)
    inp['frame_idxs'] = jax.random.randint(ks[9], (B,), 0, F)
    return inp


def reference(root_pose, body_pose, jaw_pose, leye_pose, reye_pose, lhand_pose, rhand_pose, expr, trans, splits, frame_idxs):
    idx = frame_idxs

    def conv(table):
        g = jnp.take(table, idx, axis=0)
        return matrix_to_axis_angle(rotation_6d_to_matrix(g))

    out = (
        conv(root_pose),
        conv(body_pose),
        conv(jaw_pose),
        conv(leye_pose),
        conv(reye_pose),
        conv(lhand_pose),
        conv(rhand_pose),
        jnp.take(expr, idx, axis=0),
        jnp.take(trans, idx, axis=0),
    )
    return out

if __name__ == "__main__":
    import jax
    _d = setup_inputs()
    print(jax.jit(kernel)(*tuple(_d.values())))

</pallas_src>

<mosaic_0001>
module attributes {stable_mosaic.version = 14 : i64} {
  func.func @_convert_body(%arg0: i32, %arg1: memref<6x40x512xf32, #tpu.memory_space<vmem>>, %arg2: memref<3x40x512xf32, #tpu.memory_space<vmem>>) attributes {dimension_semantics = [#tpu.dimension_semantics<arbitrary>], iteration_bounds = array<i64: 11>, scalar_prefetch = 0 : i64, scratch_operands = 0 : i64, tpu.core_type = #tpu.core_type<tc>, window_params = [{transform_indices = @transform_0, window_bounds = array<i64: 6, 40, 512>}, {transform_indices = @transform_1, window_bounds = array<i64: 3, 40, 512>}]} {
    %get3A = arith.constant 0 : index
    %get3A_0 = arith.constant 0 : index
    %get3A_1 = arith.constant 0 : index
    %get3A_2 = vector.load %arg1[%get3A, %get3A_0, %get3A_1] : memref<6x40x512xf32, #tpu.memory_space<vmem>>, vector<6x40x512xf32>
    %slice3A = vector.extract_strided_slice %get3A_2 {offsets = [0, 0, 0], sizes = [1, 40, 512], strides = [1, 1, 1]} : vector<6x40x512xf32> to vector<1x40x512xf32>
    %squeeze3A = vector.shape_cast %slice3A : vector<1x40x512xf32> to vector<40x512xf32>
    %slice3A_3 = vector.extract_strided_slice %get3A_2 {offsets = [1, 0, 0], sizes = [1, 40, 512], strides = [1, 1, 1]} : vector<6x40x512xf32> to vector<1x40x512xf32>
    %squeeze3A_4 = vector.shape_cast %slice3A_3 : vector<1x40x512xf32> to vector<40x512xf32>
    %slice3A_5 = vector.extract_strided_slice %get3A_2 {offsets = [2, 0, 0], sizes = [1, 40, 512], strides = [1, 1, 1]} : vector<6x40x512xf32> to vector<1x40x512xf32>
    %squeeze3A_6 = vector.shape_cast %slice3A_5 : vector<1x40x512xf32> to vector<40x512xf32>
    %slice3A_7 = vector.extract_strided_slice %get3A_2 {offsets = [3, 0, 0], sizes = [1, 40, 512], strides = [1, 1, 1]} : vector<6x40x512xf32> to vector<1x40x512xf32>
    %squeeze3A_8 = vector.shape_cast %slice3A_7 : vector<1x40x512xf32> to vector<40x512xf32>
    %slice3A_9 = vector.extract_strided_slice %get3A_2 {offsets = [4, 0, 0], sizes = [1, 40, 512], strides = [1, 1, 1]} : vector<6x40x512xf32> to vector<1x40x512xf32>
    %squeeze3A_10 = vector.shape_cast %slice3A_9 : vector<1x40x512xf32> to vector<40x512xf32>
    %slice3A_11 = vector.extract_strided_slice %get3A_2 {offsets = [5, 0, 0], sizes = [1, 40, 512], strides = [1, 1, 1]} : vector<6x40x512xf32> to vector<1x40x512xf32>
    %squeeze3A_12 = vector.shape_cast %slice3A_11 : vector<1x40x512xf32> to vector<40x512xf32>
    %mul3A = arith.mulf %squeeze3A, %squeeze3A : vector<40x512xf32>
    %mul3A_13 = arith.mulf %squeeze3A_4, %squeeze3A_4 : vector<40x512xf32>
    %add3A = arith.addf %mul3A, %mul3A_13 : vector<40x512xf32>
    %mul3A_14 = arith.mulf %squeeze3A_6, %squeeze3A_6 : vector<40x512xf32>
    %add3A_15 = arith.addf %add3A, %mul3A_14 : vector<40x512xf32>
    %sqrt3A = math.sqrt %add3A_15 : vector<40x512xf32>
    %div3A = arith.divf %squeeze3A, %sqrt3A : vector<40x512xf32>
    %div3A_16 = arith.divf %squeeze3A_4, %sqrt3A : vector<40x512xf32>
    %div3A_17 = arith.divf %squeeze3A_6, %sqrt3A : vector<40x512xf32>
    %mul3A_18 = arith.mulf %div3A, %squeeze3A_8 : vector<40x512xf32>
    %mul3A_19 = arith.mulf %div3A_16, %squeeze3A_10 : vector<40x512xf32>
    %add3A_20 = arith.addf %mul3A_18, %mul3A_19 : vector<40x512xf32>
    %mul3A_21 = arith.mulf %div3A_17, %squeeze3A_12 : vector<40x512xf32>
    %add3A_22 = arith.addf %add3A_20, %mul3A_21 : vector<40x512xf32>
    %mul3A_23 = arith.mulf %add3A_22, %div3A : vector<40x512xf32>
    %sub3A = arith.subf %squeeze3A_8, %mul3A_23 : vector<40x512xf32>
    %mul3A_24 = arith.mulf %add3A_22, %div3A_16 : vector<40x512xf32>
    %sub3A_25 = arith.subf %squeeze3A_10, %mul3A_24 : vector<40x512xf32>
    %mul3A_26 = arith.mulf %add3A_22, %div3A_17 : vector<40x512xf32>
    %sub3A_27 = arith.subf %squeeze3A_12, %mul3A_26 : vector<40x512xf32>
    %mul3A_28 = arith.mulf %sub3A, %sub3A : vector<40x512xf32>
    %mul3A_29 = arith.mulf %sub3A_25, %sub3A_25 : vector<40x512xf32>
    %add3A_30 = arith.addf %mul3A_28, %mul3A_29 : vector<40x512xf32>
    %mul3A_31 = arith.mulf %sub3A_27, %sub3A_27 : vector<40x512xf32>
    %add3A_32 = arith.addf %add3A_30, %mul3A_31 : vector<40x512xf32>
    %sqrt3A_33 = math.sqrt %add3A_32 : vector<40x512xf32>
    %div3A_34 = arith.divf %sub3A, %sqrt3A_33 : vector<40x512xf32>
    %div3A_35 = arith.divf %sub3A_25, %sqrt3A_33 : vector<40x512xf32>
    %div3A_36 = arith.divf %sub3A_27, %sqrt3A_33 : vector<40x512xf32>
    %mul3A_37 = arith.mulf %div3A_16, %div3A_36 : vector<40x512xf32>
    %mul3A_38 = arith.mulf %div3A_17, %div3A_35 : vector<40x512xf32>
    %sub3A_39 = arith.subf %mul3A_37, %mul3A_38 : vector<40x512xf32>
    %mul3A_40 = arith.mulf %div3A_17, %div3A_34 : vector<40x512xf32>
    %mul3A_41 = arith.mulf %div3A, %div3A_36 : vector<40x512xf32>
    %sub3A_42 = arith.subf %mul3A_40, %mul3A_41 : vector<40x512xf32>
    %mul3A_43 = arith.mulf %div3A, %div3A_35 : vector<40x512xf32>
    %mul3A_44 = arith.mulf %div3A_16, %div3A_34 : vector<40x512xf32>
    %sub3A_45 = arith.subf %mul3A_43, %mul3A_44 : vector<40x512xf32>
    %add3A_46 = arith.constant 1.000000e+00 : f32
    %add3A_47 = vector.broadcast %add3A_46 : f32 to vector<40x512xf32>
    %add3A_48 = arith.addf %add3A_47, %div3A : vector<40x512xf32>
    %add3A_49 = arith.addf %add3A_48, %div3A_35 : vector<40x512xf32>
    %add3A_50 = arith.addf %add3A_49, %sub3A_45 : vector<40x512xf32>
    %add3A_51 = arith.constant 1.000000e+00 : f32
    %add3A_52 = vector.broadcast %add3A_51 : f32 to vector<40x512xf32>
    %add3A_53 = arith.addf %add3A_52, %div3A : vector<40x512xf32>
    %sub3A_54 = arith.subf %add3A_53, %div3A_35 : vector<40x512xf32>
    %sub3A_55 = arith.subf %sub3A_54, %sub3A_45 : vector<40x512xf32>
    %sub3A_56 = arith.constant 1.000000e+00 : f32
    %sub3A_57 = vector.broadcast %sub3A_56 : f32 to vector<40x512xf32>
    %sub3A_58 = arith.subf %sub3A_57, %div3A : vector<40x512xf32>
    %add3A_59 = arith.addf %sub3A_58, %div3A_35 : vector<40x512xf32>
    %sub3A_60 = arith.subf %add3A_59, %sub3A_45 : vector<40x512xf32>
    %sub3A_61 = arith.constant 1.000000e+00 : f32
    %sub3A_62 = vector.broadcast %sub3A_61 : f32 to vector<40x512xf32>
    %sub3A_63 = arith.subf %sub3A_62, %div3A : vector<40x512xf32>
    %sub3A_64 = arith.subf %sub3A_63, %div3A_35 : vector<40x512xf32>
    %add3A_65 = arith.addf %sub3A_64, %sub3A_45 : vector<40x512xf32>
    %broadcast_in_dim3A = arith.constant 0.000000e+00 : f32
    %broadcast_in_dim3A_66 = vector.broadcast %broadcast_in_dim3A : f32 to vector<40x512xf32>
    %max3A = arith.maximumf %add3A_50, %broadcast_in_dim3A_66 : vector<40x512xf32>
    %sqrt3A_67 = math.sqrt %max3A : vector<40x512xf32>
    %max3A_68 = arith.maximumf %sub3A_55, %broadcast_in_dim3A_66 : vector<40x512xf32>
    %sqrt3A_69 = math.sqrt %max3A_68 : vector<40x512xf32>
    %max3A_70 = arith.maximumf %sub3A_60, %broadcast_in_dim3A_66 : vector<40x512xf32>
    %sqrt3A_71 = math.sqrt %max3A_70 : vector<40x512xf32>
    %max3A_72 = arith.maximumf %add3A_65, %broadcast_in_dim3A_66 : vector<40x512xf32>
    %sqrt3A_73 = math.sqrt %max3A_72 : vector<40x512xf32>
    %max3A_74 = arith.constant 1.000000e-01 : f32
    %max3A_75 = vector.broadcast %max3A_74 : f32 to vector<40x512xf32>
    %max3A_76 = arith.maximumf %sqrt3A_67, %max3A_75 : vector<40x512xf32>
    %mul3A_77 = arith.constant 2.000000e+00 : f32
    %mul3A_78 = vector.broadcast %mul3A_77 : f32 to vector<40x512xf32>
    %mul3A_79 = arith.mulf %mul3A_78, %max3A_76 : vector<40x512xf32>
    %max3A_80 = arith.constant 1.000000e-01 : f32
    %max3A_81 = vector.broadcast %max3A_80 : f32 to vector<40x512xf32>
    %max3A_82 = arith.maximumf %sqrt3A_69, %max3A_81 : vector<40x512xf32>
    %mul3A_83 = arith.constant 2.000000e+00 : f32
    %mul3A_84 = vector.broadcast %mul3A_83 : f32 to vector<40x512xf32>
    %mul3A_85 = arith.mulf %mul3A_84, %max3A_82 : vector<40x512xf32>
    %max3A_86 = arith.constant 1.000000e-01 : f32
    %max3A_87 = vector.broadcast %max3A_86 : f32 to vector<40x512xf32>
    %max3A_88 = arith.maximumf %sqrt3A_71, %max3A_87 : vector<40x512xf32>
    %mul3A_89 = arith.constant 2.000000e+00 : f32
    %mul3A_90 = vector.broadcast %mul3A_89 : f32 to vector<40x512xf32>
    %mul3A_91 = arith.mulf %mul3A_90, %max3A_88 : vector<40x512xf32>
    %max3A_92 = arith.constant 1.000000e-01 : f32
    %max3A_93 = vector.broadcast %max3A_92 : f32 to vector<40x512xf32>
    %max3A_94 = arith.maximumf %sqrt3A_73, %max3A_93 : vector<40x512xf32>
    %mul3A_95 = arith.constant 2.000000e+00 : f32
    %mul3A_96 = vector.broadcast %mul3A_95 : f32 to vector<40x512xf32>
    %mul3A_97 = arith.mulf %mul3A_96, %max3A_94 : vector<40x512xf32>
    %mul3A_98 = arith.mulf %sqrt3A_67, %sqrt3A_67 : vector<40x512xf32>
    %div3A_99 = arith.divf %mul3A_98, %mul3A_79 : vector<40x512xf32>
    %sub3A_100 = arith.subf %sub3A_42, %div3A_36 : vector<40x512xf32>
    %div3A_101 = arith.divf %sub3A_100, %mul3A_79 : vector<40x512xf32>
    %sub3A_102 = arith.subf %div3A_17, %sub3A_39 : vector<40x512xf32>
    %div3A_103 = arith.divf %sub3A_102, %mul3A_79 : vector<40x512xf32>
    %sub3A_104 = arith.subf %div3A_34, %div3A_16 : vector<40x512xf32>
    %div3A_105 = arith.divf %sub3A_104, %mul3A_79 : vector<40x512xf32>
    %sub3A_106 = arith.subf %sub3A_42, %div3A_36 : vector<40x512xf32>
    %div3A_107 = arith.divf %sub3A_106, %mul3A_85 : vector<40x512xf32>
    %mul3A_108 = arith.mulf %sqrt3A_69, %sqrt3A_69 : vector<40x512xf32>
    %div3A_109 = arith.divf %mul3A_108, %mul3A_85 : vector<40x512xf32>
    %add3A_110 = arith.addf %div3A_34, %div3A_16 : vector<40x512xf32>
    %div3A_111 = arith.divf %add3A_110, %mul3A_85 : vector<40x512xf32>
    %add3A_112 = arith.addf %div3A_17, %sub3A_39 : vector<40x512xf32>
    %div3A_113 = arith.divf %add3A_112, %mul3A_85 : vector<40x512xf32>
    %sub3A_114 = arith.subf %div3A_17, %sub3A_39 : vector<40x512xf32>
    %div3A_115 = arith.divf %sub3A_114, %mul3A_91 : vector<40x512xf32>
    %add3A_116 = arith.addf %div3A_34, %div3A_16 : vector<40x512xf32>
    %div3A_117 = arith.divf %add3A_116, %mul3A_91 : vector<40x512xf32>
    %mul3A_118 = arith.mulf %sqrt3A_71, %sqrt3A_71 : vector<40x512xf32>
    %div3A_119 = arith.divf %mul3A_118, %mul3A_91 : vector<40x512xf32>
    %add3A_120 = arith.addf %div3A_36, %sub3A_42 : vector<40x512xf32>
    %div3A_121 = arith.divf %add3A_120, %mul3A_91 : vector<40x512xf32>
    %sub3A_122 = arith.subf %div3A_34, %div3A_16 : vector<40x512xf32>
    %div3A_123 = arith.divf %sub3A_122, %mul3A_97 : vector<40x512xf32>
    %add3A_124 = arith.addf %sub3A_39, %div3A_17 : vector<40x512xf32>
    %div3A_125 = arith.divf %add3A_124, %mul3A_97 : vector<40x512xf32>
    %add3A_126 = arith.addf %sub3A_42, %div3A_36 : vector<40x512xf32>
    %div3A_127 = arith.divf %add3A_126, %mul3A_97 : vector<40x512xf32>
    %mul3A_128 = arith.mulf %sqrt3A_73, %sqrt3A_73 : vector<40x512xf32>
    %div3A_129 = arith.divf %mul3A_128, %mul3A_97 : vector<40x512xf32>
    %gt3A = arith.cmpf ogt, %sqrt3A_69, %sqrt3A_67 : vector<40x512xf32>
    %select_n3A = arith.select %gt3A, %div3A_107, %div3A_99 : vector<40x512xi1>, vector<40x512xf32>
    %select_n3A_130 = arith.select %gt3A, %div3A_109, %div3A_101 : vector<40x512xi1>, vector<40x512xf32>
    %select_n3A_131 = arith.select %gt3A, %div3A_111, %div3A_103 : vector<40x512xi1>, vector<40x512xf32>
    %select_n3A_132 = arith.select %gt3A, %div3A_113, %div3A_105 : vector<40x512xi1>, vector<40x512xf32>
    %max3A_133 = arith.maximumf %sqrt3A_69, %sqrt3A_67 : vector<40x512xf32>
    %gt3A_134 = arith.cmpf ogt, %sqrt3A_71, %max3A_133 : vector<40x512xf32>
    %select_n3A_135 = arith.select %gt3A_134, %div3A_115, %select_n3A : vector<40x512xi1>, vector<40x512xf32>
    %select_n3A_136 = arith.select %gt3A_134, %div3A_117, %select_n3A_130 : vector<40x512xi1>, vector<40x512xf32>
    %select_n3A_137 = arith.select %gt3A_134, %div3A_119, %select_n3A_131 : vector<40x512xi1>, vector<40x512xf32>
    %select_n3A_138 = arith.select %gt3A_134, %div3A_121, %select_n3A_132 : vector<40x512xi1>, vector<40x512xf32>
    %max3A_139 = arith.maximumf %sqrt3A_71, %max3A_133 : vector<40x512xf32>
    %gt3A_140 = arith.cmpf ogt, %sqrt3A_73, %max3A_139 : vector<40x512xf32>
    %select_n3A_141 = arith.select %gt3A_140, %div3A_123, %select_n3A_135 : vector<40x512xi1>, vector<40x512xf32>
    %select_n3A_142 = arith.select %gt3A_140, %div3A_125, %select_n3A_136 : vector<40x512xi1>, vector<40x512xf32>
    %select_n3A_143 = arith.select %gt3A_140, %div3A_127, %select_n3A_137 : vector<40x512xi1>, vector<40x512xf32>
    %select_n3A_144 = arith.select %gt3A_140, %div3A_129, %select_n3A_138 : vector<40x512xi1>, vector<40x512xf32>
    %mul3A_145 = arith.mulf %select_n3A_142, %select_n3A_142 : vector<40x512xf32>
    %mul3A_146 = arith.mulf %select_n3A_143, %select_n3A_143 : vector<40x512xf32>
    %add3A_147 = arith.addf %mul3A_145, %mul3A_146 : vector<40x512xf32>
    %mul3A_148 = arith.mulf %select_n3A_144, %select_n3A_144 : vector<40x512xf32>
    %add3A_149 = arith.addf %add3A_147, %mul3A_148 : vector<40x512xf32>
    %sqrt3A_150 = math.sqrt %add3A_149 : vector<40x512xf32>
    %atan23A = math.atan2 %sqrt3A_150, %select_n3A_141 : vector<40x512xf32>
    %mul3A_151 = arith.constant 2.000000e+00 : f32
    %mul3A_152 = vector.broadcast %mul3A_151 : f32 to vector<40x512xf32>
    %mul3A_153 = arith.mulf %mul3A_152, %atan23A : vector<40x512xf32>
    %abs3A = math.absf %mul3A_153 : vector<40x512xf32>
    %lt3A = arith.constant 9.99999997E-7 : f32
    %lt3A_154 = vector.broadcast %lt3A : f32 to vector<40x512xf32>
    %lt3A_155 = arith.cmpf olt, %abs3A, %lt3A_154 : vector<40x512xf32>
    %broadcast_in_dim3A_156 = arith.constant 1.000000e+00 : f32
    %broadcast_in_dim3A_157 = vector.broadcast %broadcast_in_dim3A_156 : f32 to vector<40x512xf32>
    %select_n3A_158 = arith.select %lt3A_155, %broadcast_in_dim3A_157, %mul3A_153 : vector<40x512xi1>, vector<40x512xf32>
    %mul3A_159 = arith.mulf %mul3A_153, %mul3A_153 : vector<40x512xf32>
    %div3A_160 = arith.constant 4.800000e+01 : f32
    %div3A_161 = vector.broadcast %div3A_160 : f32 to vector<40x512xf32>
    %div3A_162 = arith.divf %mul3A_159, %div3A_161 : vector<40x512xf32>
    %sub3A_163 = arith.constant 5.000000e-01 : f32
    %sub3A_164 = vector.broadcast %sub3A_163 : f32 to vector<40x512xf32>
    %sub3A_165 = arith.subf %sub3A_164, %div3A_162 : vector<40x512xf32>
    %sin3A = math.sin %atan23A : vector<40x512xf32>
    %div3A_166 = arith.divf %sin3A, %select_n3A_158 : vector<40x512xf32>
    %select_n3A_167 = arith.select %lt3A_155, %sub3A_165, %div3A_166 : vector<40x512xi1>, vector<40x512xf32>
    %div3A_168 = arith.divf %select_n3A_142, %select_n3A_167 : vector<40x512xf32>
    %div3A_169 = arith.divf %select_n3A_143, %select_n3A_167 : vector<40x512xf32>
    %div3A_170 = arith.divf %select_n3A_144, %select_n3A_167 : vector<40x512xf32>
    %stack3A = vector.shape_cast %div3A_168 : vector<40x512xf32> to vector<1x40x512xf32>
    %stack3A_171 = vector.shape_cast %div3A_169 : vector<40x512xf32> to vector<1x40x512xf32>
    %stack3A_172 = vector.shape_cast %div3A_170 : vector<40x512xf32> to vector<1x40x512xf32>
    %stack3A_173 = tpu.concatenate %stack3A, %stack3A_171, %stack3A_172 in 0 : vector<1x40x512xf32>, vector<1x40x512xf32>, vector<1x40x512xf32> -> vector<3x40x512xf32>
    %swap3A = arith.constant 0 : index
    %swap3A_174 = arith.constant 0 : index
    %swap3A_175 = arith.constant 0 : index
    %swap3A_176 = vector.load %arg2[%swap3A, %swap3A_174, %swap3A_175] : memref<3x40x512xf32, #tpu.memory_space<vmem>>, vector<3x40x512xf32>
    tpu.vector_store %arg2[%swap3A, %swap3A_174, %swap3A_175], %stack3A_173 {strides = array<i32>} : memref<3x40x512xf32, #tpu.memory_space<vmem>>, vector<3x40x512xf32>,
    return
  }
  func.func @transform_0(%arg0: i32) -> (i32, i32, i32) {
    %c0_i32 = arith.constant 0 : i32
    %c0_i32_0 = arith.constant 0 : i32
    %c0_i32_1 = arith.constant 0 : i32
    return %c0_i32, %arg0, %c0_i32_0 : i32, i32, i32
  }
  func.func @transform_1(%arg0: i32) -> (i32, i32, i32) {
    %c0_i32 = arith.constant 0 : i32
    %c0_i32_0 = arith.constant 0 : i32
    %c0_i32_1 = arith.constant 0 : i32
    return %c0_i32, %arg0, %c0_i32_0 : i32, i32, i32
  }
}

</mosaic_0001>

<sc_bundles>
// kernel: gather_offload_async_start.1
scs
__scs_entry_jumppad:
0x0: {  	(pc) =	sbr.rel $0x88, $3  }
0x1: {  	(tag) =	ssettag $0x0;
	lr =	simm.s32 $0x1  }
0x2: {  	[smem:$0x3F97] =	sst lr;
	_ =	strace $0xD0000000  }
0x3: {  	_ = 	snop  }
0x4: {  	_ = 	snop  }
0x5: {  	_ = 	snop  }
0x6: {  	_ = 	snop  }
0x7: {  	_ = 	snop  }
__scs_overlays_trampoline_lowered:
0x8: {  	[smem:$0x3FA6] =	sst s0  }
0x9: {  	[smem:$0x3FA7] =	sst s1  }
0xa: {  	[smem:$0x3FA8] =	sst s2  }
0xb: {  	[smem:$0x3FA9] =	sst s3  }
0xc: {  	[smem:$0x3FAA] =	sst s4  }
0xd: {  	[smem:$0x3FAB] =	sst s5  }
0xe: {  	[smem:$0x3FAC] =	sst s6  }
0xf: {  	[smem:$0x3FAD] =	sst s7  }
0x10: {  	[smem:$0x3FAE] =	sst s8  }
0x11: {  	[smem:$0x3FAF] =	sst s9;
	s0 =	simm.s32 @!p0 $0x0  }
0x12: {  	s1 =	sld [smem:$0x3F95];
	s0 =	simm.s32 @p0 $0x1  }
0x13: {  	[smem:$0x3FB0] =	sst s0;
	s0 =	simm.s32 @!p1 $0x0  }
0x14: {  	s2 =	sld [smem:$0x3F94];
	s0 =	simm.s32 @p1 $0x1  }
0x15: {  	[smem:$0x3FB1] =	sst s0;
	s0 =	simm.s32 @!p2 $0x0  }
0x16: {  	s3 =	sld [smem:$0x3FDB];
	s0 =	simm.s32 @p2 $0x1  }
0x17: {  	s4 =	simm.s32 $0x1BF5;
	[smem:$0x3FB3] =	sst s0  }
0x18: {  	s0 =	sld [smem:$0x3F96];
	_ =	swait.ge [sflag:s4], $0x0  }
0x19: {  	s7 =	sld [smem:$0x3F97]  }
0x1a: {  	s8 =	sadd.s32 $0xFFFFE003, lr  }
0x1b: {  	s9 =	sadd.s32 $0xFFFFFEF7, lr;
	s5 =	simm.s32 $0xFFFFFFFF;
	p2 =	slt.u32 s8, $0xFFFFF086  }
0x1c: {  	p1 =	slt.u32 s9, $0xF7A;
	s5 =	simm.s32 @!p2 $0x0  }
0x1d: {  	s5 =	simm.s32 @p1 $0x1;
	p0 =	seq.s32 s7, s2  }
0x1e: {  	s7 =	smul.u32 @!p0 $0xF7A, s2;
	p2 =	seq.s32 @!p0 s5, $0x0  }
0x1f: {  	s9 =	smul.u32 $0xF7A, s1;
	s8 =	simm.s32 @!p0 $0x1BF5;
	p2 =	por !p2, p0  }
0x20: {  	[sflag:s8] =	ssyncset.s32 @!p0 $0xFFFFF086;
	s6 =	sadd.s32 @!p0 s3, s7;
	s7 =	simm.s32 @!p0 $0x108  }
0x21: {  	s3 =	sadd.s32 s3, s9;
	s6 =	sadd.s32 @!p0 $0x88, s6;
	s7 =	simm.s32 @p2 $0x1082  }
0x22: {  	[simem:s7], [sflag:s8] =	dma.local @!p0 [hbm:s6], $0xF7A  }
0x23: {  	s9 =	sor.u32 $0xD0000000, s2;
	s6 =	simm.s32 $0x108;
	_ =	swait.ge @!p0 [sflag:s8], $0x0  }
0x24: {  	s3 =	sadd.s32 $0x88, s3;
	s6 =	simm.s32 @!p1 $0x1082;
	[sflag:s4] =	ssyncset.s32 $0xFFFFF086  }
0x25: {  	[simem:s6], [sflag:s4] =	dma.local [hbm:s3], $0xF7A  }
0x26: {  	[smem:$0x3F97] =	sst s1;
	(tag) =	ssettag s2;
	_ =	strace s9  }
0x27: {  	s1 =	sld [smem:$0x3FA7]  }
0x28: {  	s2 =	sld [smem:$0x3FA8]  }
0x29: {  	s4 =	sld [smem:$0x3FAA]  }
0x2a: {  	p0 =	seq.s32 s5, $0x0;
	s5 =	sld [smem:$0x3FAB]  }
0x2b: {  	s6 =	sld [smem:$0x3FAC]  }
0x2c: {  	s7 =	sld [smem:$0x3FAD]  }
0x2d: {  	s3 =	simm.s32 $0x108;
	s8 =	sld [smem:$0x3FAE]  }
0x2e: {  	s3 =	simm.s32 @!p0 $0x1082;
	s9 =	sld [smem:$0x3FAF]  }
0x2f: {  	lr =	sadd.s32 s0, s3;
	s0 =	sld [smem:$0x3FA6]  }
0x30: {  	s3 =	sld [smem:$0x3FA9]  }
0x31: {  	[smem:$0x3FB2] =	sst s10  }
0x32: {  	s10 =	sld [smem:$0x3FB0];
	_ =	sdelay $0x3  }
0x33: {  	p0 =	seq.s32 s10, $0x1;
	s10 =	sld [smem:$0x3FB2];
	_ =	sdelay $0x3  }
0x34: {  	[smem:$0x3FB2] =	sst s10  }
0x35: {  	s10 =	sld [smem:$0x3FB1];
	_ =	sdelay $0x3  }
0x36: {  	p1 =	seq.s32 s10, $0x1;
	s10 =	sld [smem:$0x3FB2];
	_ =	sdelay $0x3  }
0x37: {  	[smem:$0x3FB2] =	sst s10  }
0x38: {  	s10 =	sld [smem:$0x3FB3]  }
0x39: {  	_ = 	snop;
	(pc) =	sbr.ind lr, $3  }
0x3a: {  	_ = 	snop  }
0x3b: {  	_ = 	snop  }
0x3c: {  	p2 =	seq.s32 s10, $0x1;
	s10 =	sld [smem:$0x3FB2]  }
0x3d: {  	_ =	shalt  }
0x3e: {  	_ =	shalt  }
0x3f: {  	_ =	shalt  }
0x40: {  	_ =	shalt  }
0x41: {  	_ =	shalt  }
0x42: {  	_ =	shalt  }
0x43: {  	_ =	shalt  }
0x44: {  	_ =	shalt  }
0x45: {  	_ =	shalt  }
0x46: {  	_ =	shalt  }
0x47: {  	_ =	shalt  }
0x48: {  	_ =	shalt  }
0x49: {  	_ =	shalt  }
0x4a: {  	_ =	shalt  }
0x4b: {  	_ =	shalt  }
0x4c: {  	_ =	shalt  }
0x4d: {  	_ =	shalt  }
0x4e: {  	_ =	shalt  }
0x4f: {  	_ =	shalt  }
0x50: {  	_ =	shalt  }
0x51: {  	_ =	shalt  }
0x52: {  	_ =	shalt  }
0x53: {  	_ =	shalt  }
0x54: {  	_ =	shalt  }
0x55: {  	_ =	shalt  }
0x56: {  	_ =	shalt  }
0x57: {  	_ =	shalt  }
0x58: {  	_ =	shalt  }
0x59: {  	_ =	shalt  }
0x5a: {  	_ =	shalt  }
0x5b: {  	_ =	shalt  }
0x5c: {  	_ =	shalt  }
0x5d: {  	_ =	shalt  }
0x5e: {  	_ =	shalt  }
0x5f: {  	_ =	shalt  }
0x60: {  	_ =	shalt  }
0x61: {  	_ =	shalt  }
0x62: {  	_ =	shalt  }
0x63: {  	_ =	shalt  }
0x64: {  	_ =	shalt  }
0x65: {  	_ =	shalt  }
0x66: {  	_ =	shalt  }
0x67: {  	_ =	shalt  }
0x68: {  	_ =	shalt  }
0x69: {  	_ =	shalt  }
0x6a: {  	_ =	shalt  }
0x6b: {  	_ =	shalt  }
0x6c: {  	_ =	shalt  }
0x6d: {  	_ =	shalt  }
0x6e: {  	_ =	shalt  }
0x6f: {  	_ =	shalt  }
0x70: {  	_ =	shalt  }
0x71: {  	_ =	shalt  }
0x72: {  	_ =	shalt  }
0x73: {  	_ =	shalt  }
0x74: {  	_ =	shalt  }
0x75: {  	_ =	shalt  }
0x76: {  	_ =	shalt  }
0x77: {  	_ =	shalt  }
0x78: {  	_ =	shalt  }
0x79: {  	_ =	shalt  }
0x7a: {  	_ =	shalt  }
0x7b: {  	_ =	shalt  }
0x7c: {  	_ =	shalt  }
0x7d: {  	_ =	shalt  }
0x7e: {  	_ =	shalt  }
0x7f: {  	_ =	shalt  }
0x80: {  	_ =	shalt  }
0x81: {  	_ =	shalt  }
0x82: {  	_ =	shalt  }
0x83: {  	_ =	shalt  }
0x84: {  	_ =	shalt  }
0x85: {  	_ =	shalt  }
0x86: {  	_ =	shalt  }
0x87: {  	_ =	shalt  }
.Lfunc_end0:
.L_simem_size_0:
called_computation.1_lowered:
.L_overlay_start_0:
0x88: {  	s2 =	sld [smem:$0x3FD9]  }
0x89: {  	s3 =	sld [smem:$0x3FFE];
	_ =	sdelay $0x1  }
0x8a: {  	s1 =	srdreg.scid  }
0x8b: {  	s0 =	sand.u32 $0x1, s1  }
0x8c: {  	s14 =	sshll.u32 s0, $0xA;
	s2 =	sadd.s32 s3, s2  }
0x8d: {  	s2 =	sadd.s32 s2, s14  }
0x8e: {  	[smem:$0x3FBE] =	sst s2  }
0x8f: {  	_ = 	snop  }
0x90: {  	s2 =	sld [smem:$0x3FD0];
	_ =	sdelay $0x2  }
0x91: {  	s15 =	simm.s32 $0xE;
	s4 =	simm.s32 $0x10  }
0x92: {  	[smem:s4], [sflag:s15] =	dma.local [hbm:s2], $0x1  }
0x93: {  	_ =	swait.eq [sflag:s15], $0x1  }
0x94: {  	[sflag:s15] =	ssyncset.done $0x0  }
0x95: {  	[sflag:s15] =	ssyncadd.s32 $0xFFFFFFFF  }
0x96: {  	s16 =	sld [smem:$0x17];
	(tm) =	ssettm $0x1  }
0x97: {  	s17 =	sld [smem:$0x3FFB];
	_ =	sdelay $0x3  }
0x98: {  	_ =	strace s17  }
0x99: {  	s3 =	sld [smem:$0x3FFC];
	_ =	sdelay $0x3  }
0x9a: {  	_ =	strace s3  }
0x9b: {  	s3 =	sld [smem:$0x3FFD];
	_ =	sdelay $0x3  }
0x9c: {  	_ =	strace s3  }
0x9d: {  	_ =	strace $0x8FFFFFFF  }
0x9e: {  	s18 =	sld [smem:$0x3FDB];
	_ =	sdelay $0x1  }
0x9f: {  	s19 =	simm.s32 $_scs_section_size  }
0xa0: {  	s5 =	simm.s32 $_size__tile_overlayer_lowered;
	s6 =	simm.s32 $_tile_overlayer_lowered  }
0xa1: {  	s22 =	simm.s32 $0x1BFF;
	s21 =	sshll.u32 s6, $0x1;
	s3 =	sadd.s32 s19, s18  }
0xa2: {  	s7 =	simm.s32 $0x0;
	s20 =	sshll.u32 s5, $0x1;
	s5 =	sadd.s32 s21, s3  }
0xa3: {  	[timem:s7], [sflag:s22] =	dma.local [hbm:s5], s20  }
0xa4: {  	_ =	swait.ge [sflag:s22], s20  }
0xa5: {  	s4 =	ssub.s32 $0x0, s20;
	[sflag:s22] =	ssyncset.done $0x0  }
0xa6: {  	[sflag:s22] =	ssyncadd.s32 s4;
	_ =	sdelay $0x1  }
0xa7: {  	s23 =	simm.s32 $0x1B8B  }
0xa8: {  	_ =	swait.ge [sflag:s23], $0x1  }
0xa9: {  	[sflag:s23] =	ssyncset.done $0x0  }
0xaa: {  	s25 =	simm.s32 $0x1B8E;
	s24 =	sld [smem:$0x3FFE];
	[sflag:s23] =	ssyncadd.s32 $0xFFFFFFFF  }
0xab: {  	s26 =	simm.s32 $execute0_lowered;
	[smem:$0x3FD2] =	sst s25  }
0xac: {  	s5 =	sshll.u32 s26, $0x1;
	_ =	strace $0x80000046;
	[dreg:$0x1] =	wrdreg $0xFFFFFFFF  }
0xad: {  	s28 =	simm.s32 $_size_execute0_lowered;
	s3 =	sadd.s32 s3, s5;
	[dreg:$0x0] =	wrdreg $0x0  }
0xae: {  	s5 =	sshll.u32 s28, $0x1;
	[dreg:$0x2] =	wrdreg s3  }
0xaf: {  	[dreg:$0x3] =	wrdreg s5  }
0xb0: {  	[dreg:$0x4] =	wrdreg $0xC0  }
0xb1: {  	_ =	task [dreg:s7], $0x5FFFF  }
0xb2: {  	[dreg:$0x1] =	wrdreg $0xFFFFFFFF  }
0xb3: {  	[dreg:$0x0] =	wrdreg $0x60  }
0xb4: {  	[dreg:$0x2] =	wrdreg s24  }
0xb5: {  	[dreg:$0x3] =	wrdreg s16  }
0xb6: {  	[dreg:$0x4] =	wrdreg $0x9  }
0xb7: {  	_ =	task.clear_ibuf [dreg:s7], $0x5FFFF;
	_ =	strace $0x90000046  }
0xb8: {  	s29 =	simm.s32 $0x9;
	_ =	strace $0x80000048  }
0xb9: {  	_ =	swait.ge [sflag:s29], $0x1  }
0xba: {  	[sflag:s29] =	ssyncadd.s32 $0xFFFFFFFF  }
0xbb: {  	_ =	strace $0x90000048  }
0xbc: {  	_ =	sfence  }
0xbd: {  	s30 =	sld [smem:$0x0];
	_ =	sdelay $0x2  }
0xbe: {  	s31 =	sshll.u32 s1, $0xD;
	s1 =	sshrl.u32 s1, $0x2  }
0xbf: {  	s3 =	sand.u32 $0x4000, s31;
	s1 =	sadd.s32 s1, s30  }
0xc0: {  	s0 =	sor.u32 s3, s0;
	s1 =	sshll.u32 s1, $0x11  }
0xc1: {  	s0 =	sor.u32 s1, s0  }
0xc2: {  	s0 =	sadd.s32 $0x8F2B, s0  }
0xc3: {  	[sflag:s0] =	ssyncadd.remote.s32 $0x1  }
0xc4: {  	_ =	sfence.sel $0xFFFF  }
0xc5: {  	[dreg:$0x0] =	wrdreg $0xFFFFFFFF;
	(pc) =	sbr.abs _section_cstart, $3  }
0xc6: {  	[dreg:$0x1] =	wrdreg $0xFFFFFFFF  }
0xc7: {  	_ =	task.clear_ibuf [dreg:s7], $0x2FFFF;
	_ =	strace $0x9FFFFFFF  }
0xc8: {  	(tm) =	ssettm $0x7FFFFFFF  }
0xc9: {  	_ =	shalt  }
tec
execute0_lowered:
.L_overlay_start_1:
0x0: {  	(tag) =	ssettag $0x1  }
0x1: {  	s7 =	rddreg [dreg:$0x0]  }
0x2: {  	s2 =	rddreg [dreg:$0x1]  }
0x3: {  	s0 =	rddreg [dreg:$0x2]  }
0x4: {  	s1 =	srdreg.scid;
	_ =	strace $0x80000047;
	s4 =	simm.s32 $0x1  }
0x5: {  	s9 =	simm.s32 $0x3;
	s12 =	simm.s32 $0x0;
	s5 =	sshll.u32 s1, $0x4  }
.Ltmp0:
0x6: {  	s1 =	stileid.u32;
	s5 =	sand.u32 $0x10, s5;
	(pc) =	sbr.rel .LBB2_1-.Ltmp0, $4  }
0x7: {  	s10 =	simm.s32 $0x0;
	s3 =	sadd.s32 $0x3800, s7;
	s6 =	sor.u32 s1, s5  }
0x8: {  	[sflag:s4] =	ssyncpa.u1 $0x0;
	s5 =	simm.s32 $0x2;
	s6 =	sshll.u32 s6, $0x7  }
0x9: {  	s7 =	sadd.s32 $0x18A200, s7;
	[sflag:s5] =	ssyncpa.u1 $0x0;
	s8 =	sadd.s32 $0x80, s6  }
0xa: {  	vm0 =	vmmov $0xff;
	vm1 =	vcmask $0x3F20;
	[sflag:s9] =	ssyncpa.u1 $0x0;
	s9 =	simm.s32 $0x80;
	s11 =	smov.u32 s6  }
.LBB2_9:
0xb: {  	p0 =	seq.s32 s10, $0x2  }
.Ltmp1:
0xc: {  	_ = 	snop;
	(pc) =	sbr.rel @p0 .LBB2_11-.Ltmp1, $1  }
0xd: {  	_ =	sdelay $0x3  }
.LBB2_10:
0xe: {  	s12 =	sadd.s32 $0x80, s11  }
0xf: {  	s13 =	smov.u32 s6;
	p0 =	slt.s32 s12, s8  }
0x10: {  	s13 =	smov.u32 @p0 s12  }
0x11: {  	s10 =	sadd.s32 $0x1, s10;
	s12 =	smov.u32 s11;
	s11 =	smov.u32 s13  }
.LBB2_1:
0x12: {  	p0 =	sne.s32 s10, $0x0  }
.Ltmp2:
0x13: {  	_ = 	snop;
	(pc) =	sbr.rel @!p0 .LBB2_2-.Ltmp2, $1  }
0x14: {  	_ =	sdelay $0x3  }
0x15: {  	s13 =	sand.u32 $0x1, s10  }
0x16: {  	p0 =	seq.s32 s13, $0x0  }
.Ltmp3:
0x17: {  	_ = 	snop;
	(pc) =	sbr.rel @p0 .LBB2_9-.Ltmp3, $1  }
0x18: {  	_ =	sdelay $0x3  }
0x19: {  	_ =	swait.ge [sflag:s5], $0x80  }
0x1a: {  	[sflag:s5] =	ssyncset.done $0x0  }
0x1b: {  	s13 =	simm.s32 $0x0;
	[sflag:s5] =	ssyncadd.s32 $0xFFFFFF80  }
0x1c: {  	v0 =	vld.msk [tilespmem:s13+$0x80 ss:$0x1], $0xffff;
	_ =	sdelay $0x4  }
0x1d: {  	vm2 =	vgt.s32 v0, $0x0  }
0x1e: {  	v0 =	vnsel vm2, $0x0, v0  }
0x1f: {  	v0 =	vmin.u32 v0, $0x1869F  }
0x20: {  	v0 =	vshll.u32 v0, $0x4;
	_ =	sdelay $0x3  }
0x21: {  	s13 =	simm.s32 $0x4100  }
0x22: {  	[tilespmem:s13], [sflag:$0x1] =	stream.indirect_vreg.gather [hbm:s3], $0x80, v0, vm0, $0x38;
	[tilespmem:$0x8100] =	vst v63  }
0x23: {  	s14 =	simm.s32 $0x4500;
	s31 =	simm.s32 $0x10  }
0x24: {  	[tilespmem:s14], [sflag:$0x1] =	stream.indirect_vreg.gather [hbm:s3], $0x80, v0, vm1, $0x38;
	[tilespmem:$0x8100] =	vst v63  }
0x25: {  	s14 =	simm.s32 $0x80;
	v0 =	vld.msk [tilespmem:s31+$0x80 ss:$0x1], $0xffff  }
.LBB2_5:
0x26: {  	p0 =	sne.s32 s14, $0x1C0;
	_ =	sdelay $0x4  }
0x27: {  	vm2 =	vgt.s32 v0, $0x0  }
0x28: {  	v0 =	vnsel vm2, $0x0, v0  }
0x29: {  	v0 =	vmin.u32 v0, $0x1869F  }
0x2a: {  	v0 =	vshll.u32 v0, $0x4;
	_ =	sdelay $0x3  }
.Ltmp4:
0x2b: {  	s13 =	sadd.s32 $0x800, s13;
	(pc) =	sbr.rel @p0 .LBB2_5-.Ltmp4, $4  }
0x2c: {  	[tilespmem:s13], [sflag:$0x1] =	stream.indirect_vreg.gather [hbm:s3], $0x80, v0, vm0, $0x38;
	[tilespmem:$0x8100] =	vst v63  }
0x2d: {  	s15 =	sshra.s32 s14, $0x2;
	s16 =	sadd.s32 $0x400, s13  }
0x2e: {  	[tilespmem:s16], [sflag:$0x1] =	stream.indirect_vreg.gather [hbm:s3], $0x80, v0, vm1, $0x38;
	[tilespmem:$0x8100] =	vst v63  }
0x2f: {  	s14 =	sadd.s32 $0x40, s14;
	v0 =	vld.msk [tilespmem:s15+$0x80 ss:$0x1], $0xffff  }
0x30: {  	_ =	sdelay $0x3  }
0x31: {  	vm2 =	vgt.s32 v0, $0x0  }
0x32: {  	v0 =	vnsel vm2, $0x0, v0  }
0x33: {  	v0 =	vmin.u32 v0, $0x1869F  }
0x34: {  	v0 =	vshll.u32 v0, $0x4;
	_ =	sdelay $0x3  }
0x35: {  	s13 =	sadd.s32 $0x800, s13  }
0x36: {  	[tilespmem:s13], [sflag:$0x1] =	stream.indirect_vreg.gather [hbm:s3], $0x80, v0, vm0, $0x38;
	[tilespmem:$0x8100] =	vst v63  }
0x37: {  	s13 =	sadd.s32 $0x400, s13  }
0x38: {  	[tilespmem:s13], [sflag:$0x1] =	stream.indirect_vreg.gather [hbm:s3], $0x80, v0, vm1, $0x38;
	[tilespmem:$0x8100] =	vst v63  }
0x39: {  	s12 =	sshll.u32 s12, $0x4;
	s14 =	simm.s32 $0x80;
	_ =	swait.ge [sflag:s4], $0x4000  }
0x3a: {  	s15 =	simm.s32 $0x4500;
	s12 =	sadd.s32 s12, s7;
	[sflag:s4] =	ssyncset.done $0x0  }
0x3b: {  	s16 =	sadd.s32 $0x0, s12;
	s13 =	simm.s32 $0x4100;
	[sflag:s4] =	ssyncadd.s32 $0xFFFFC000  }
.LBB2_7:
0x3c: {  	[hbm:s16] =	stream.linear.scatter [tilespmem:s13], [sflag:$0x3], $0x400, $0x38;
	[tilespmem:$0x8100] =	vst v63  }
0x3d: {  	s16 =	smov.u32 s14;
	s13 =	smov.u32 s15;
	p0 =	sne.s32 s14, $0x780  }
.Ltmp5:
0x3e: {  	s14 =	sadd.s32 $0x80, s14;
	(pc) =	sbr.rel @p0 .LBB2_7-.Ltmp5, $2  }
0x3f: {  	_ =	sdelay $0x2  }
0x40: {  	s15 =	sadd.s32 $0x400, s15;
	s16 =	sadd.s32 s16, s12  }
.Ltmp6:
0x41: {  	(pc) =	sbr.rel .LBB2_9-.Ltmp6, $2  }
0x42: {  	_ =	sdelay $0x2  }
0x43: {  	[hbm:s16] =	stream.linear.scatter [tilespmem:s13], [sflag:$0x3], $0x400, $0x38;
	[tilespmem:$0x8100] =	vst v63  }
.LBB2_2:
.Ltmp7:
0x44: {  	(pc) =	sbr.rel .LBB2_10-.Ltmp7, $4  }
0x45: {  	_ = 	snop  }
0x46: {  	s12 =	sshrl.u32 s11, $0x3  }
0x47: {  	s13 =	sand.u32 $0x7, s11;
	s12 =	sadd.s32 s2, s12  }
0x48: {  	[tilespmem:s9], [sflag:$0x2] =	stream.linear.gather [hbm4b:s12+s13], $0x80, $0x38;
	[tilespmem:$0x8100] =	vst v63  }
.LBB2_11:
0x49: {  	s2 =	simm.s32 $0x3  }
0x4a: {  	_ =	swait.ge [sflag:s2], $0x4000  }
0x4b: {  	[sflag:s2] =	ssyncset.done $0x0  }
0x4c: {  	[sflag:s2] =	ssyncadd.s32 $0xFFFFC000  }
0x4d: {  	_ =	sfence.sel $0x180000  }
0x4e: {  	s3 =	simm.s32 $0x2;
	[bflag:$0x0] =	sbarrier.arrive $0xFFFF  }
0x4f: {  	[sflag:s3] =	ssyncpa.u1 $0x1  }
0x50: {  	s31 =	simm.s32 $0x1;
	[sflag:s2] =	ssyncpa.u1 $0x1  }
0x51: {  	[sflag:s31] =	ssyncpa.u1 $0x1  }
0x52: {  	p0 =	sne.s32 s1, $0x0;
	_ =	strace $0x90000047  }
0x53: {  	s0 =	sadd.s32 @!p0 $0x100000, s0;
	[bflag:$0x2] =	sbarrier.arrive $0xFFFF  }
0x54: {  	[sflag:s0] =	ssyncadd.tile.s32 @!p0 $0x1;
	_ =	shalt  }
.Lfunc_end2:
_tile_overlayer_lowered:
.L_overlay_start_2:
0x55: {  	(tag) =	ssettag $0x2  }
0x56: {  	s0 =	rddreg [dreg:$0x0];
	s2 =	stileid.u32  }
0x57: {  	s1 =	rddreg [dreg:$0x1];
	p0 =	sne.s32 s2, $0x0  }
0x58: {  	s3 =	rddreg [dreg:$0x2];
	[bflag:$0x3] =	sbarrier.arrive $0xFFFF;
	s2 =	simm.s32 @!p0 $0x1C01  }
0x59: {  	[timem:s3], [sflag:s2] =	dma.local @!p0 [hbm:s0], s1  }
0x5a: {  	s0 =	simm.s32 @!p0 $0x1  }
0x5b: {  	_ =	swait.ge @!p0 [sflag:s0], s1  }
0x5c: {  	s1 =	ssub.s32 @!p0 $0x0, s1;
	[sflag:s0] =	ssyncset.done @!p0 $0x0  }
0x5d: {  	[sflag:s0] =	ssyncadd.s32 @!p0 s1  }
0x5e: {  	[bflag:$0x3] =	sbarrier.arrive $0xFFFF  }
0x5f: {  	_ =	shalt  }

// kernel: gather_offload_async_start.2
scs
__scs_entry_jumppad:
0x0: {  	(pc) =	sbr.rel $0x88, $3  }
0x1: {  	(tag) =	ssettag $0x0;
	lr =	simm.s32 $0x1  }
0x2: {  	[smem:$0x3F97] =	sst lr;
	_ =	strace $0xD0000000  }
0x3: {  	_ = 	snop  }
0x4: {  	_ = 	snop  }
0x5: {  	_ = 	snop  }
0x6: {  	_ = 	snop  }
0x7: {  	_ = 	snop  }
__scs_overlays_trampoline_lowered:
0x8: {  	[smem:$0x3FA6] =	sst s0  }
0x9: {  	[smem:$0x3FA7] =	sst s1  }
0xa: {  	[smem:$0x3FA8] =	sst s2  }
0xb: {  	[smem:$0x3FA9] =	sst s3  }
0xc: {  	[smem:$0x3FAA] =	sst s4  }
0xd: {  	[smem:$0x3FAB] =	sst s5  }
0xe: {  	[smem:$0x3FAC] =	sst s6  }
0xf: {  	[smem:$0x3FAD] =	sst s7  }
0x10: {  	[smem:$0x3FAE] =	sst s8  }
0x11: {  	[smem:$0x3FAF] =	sst s9;
	s0 =	simm.s32 @!p0 $0x0  }
0x12: {  	s1 =	sld [smem:$0x3F95];
	s0 =	simm.s32 @p0 $0x1  }
0x13: {  	[smem:$0x3FB0] =	sst s0;
	s0 =	simm.s32 @!p1 $0x0  }
0x14: {  	s2 =	sld [smem:$0x3F94];
	s0 =	simm.s32 @p1 $0x1  }
0x15: {  	[smem:$0x3FB1] =	sst s0;
	s0 =	simm.s32 @!p2 $0x0  }
0x16: {  	s3 =	sld [smem:$0x3FDB];
	s0 =	simm.s32 @p2 $0x1  }
0x17: {  	s4 =	simm.s32 $0x1BF5;
	[smem:$0x3FB3] =	sst s0  }
0x18: {  	s0 =	sld [smem:$0x3F96];
	_ =	swait.ge [sflag:s4], $0x0  }
0x19: {  	s7 =	sld [smem:$0x3F97]  }
0x1a: {  	s8 =	sadd.s32 $0xFFFFE003, lr  }
0x1b: {  	s9 =	sadd.s32 $0xFFFFFEF7, lr;
	s5 =	simm.s32 $0xFFFFFFFF;
	p2 =	slt.u32 s8, $0xFFFFF086  }
0x1c: {  	p1 =	slt.u32 s9, $0xF7A;
	s5 =	simm.s32 @!p2 $0x0  }
0x1d: {  	s5 =	simm.s32 @p1 $0x1;
	p0 =	seq.s32 s7, s2  }
0x1e: {  	s7 =	smul.u32 @!p0 $0xF7A, s2;
	p2 =	seq.s32 @!p0 s5, $0x0  }
0x1f: {  	s9 =	smul.u32 $0xF7A, s1;
	s8 =	simm.s32 @!p0 $0x1BF5;
	p2 =	por !p2, p0  }
0x20: {  	[sflag:s8] =	ssyncset.s32 @!p0 $0xFFFFF086;
	s6 =	sadd.s32 @!p0 s3, s7;
	s7 =	simm.s32 @!p0 $0x108  }
0x21: {  	s3 =	sadd.s32 s3, s9;
	s6 =	sadd.s32 @!p0 $0x88, s6;
	s7 =	simm.s32 @p2 $0x1082  }
0x22: {  	[simem:s7], [sflag:s8] =	dma.local @!p0 [hbm:s6], $0xF7A  }
0x23: {  	s9 =	sor.u32 $0xD0000000, s2;
	s6 =	simm.s32 $0x108;
	_ =	swait.ge @!p0 [sflag:s8], $0x0  }
0x24: {  	s3 =	sadd.s32 $0x88, s3;
	s6 =	simm.s32 @!p1 $0x1082;
	[sflag:s4] =	ssyncset.s32 $0xFFFFF086  }
0x25: {  	[simem:s6], [sflag:s4] =	dma.local [hbm:s3], $0xF7A  }
0x26: {  	[smem:$0x3F97] =	sst s1;
	(tag) =	ssettag s2;
	_ =	strace s9  }
0x27: {  	s1 =	sld [smem:$0x3FA7]  }
0x28: {  	s2 =	sld [smem:$0x3FA8]  }
0x29: {  	s4 =	sld [smem:$0x3FAA]  }
0x2a: {  	p0 =	seq.s32 s5, $0x0;
	s5 =	sld [smem:$0x3FAB]  }
0x2b: {  	s6 =	sld [smem:$0x3FAC]  }
0x2c: {  	s7 =	sld [smem:$0x3FAD]  }
0x2d: {  	s3 =	simm.s32 $0x108;
	s8 =	sld [smem:$0x3FAE]  }
0x2e: {  	s3 =	simm.s32 @!p0 $0x1082;
	s9 =	sld [smem:$0x3FAF]  }
0x2f: {  	lr =	sadd.s32 s0, s3;
	s0 =	sld [smem:$0x3FA6]  }
0x30: {  	s3 =	sld [smem:$0x3FA9]  }
0x31: {  	[smem:$0x3FB2] =	sst s10  }
0x32: {  	s10 =	sld [smem:$0x3FB0];
	_ =	sdelay $0x3  }
0x33: {  	p0 =	seq.s32 s10, $0x1;
	s10 =	sld [smem:$0x3FB2];
	_ =	sdelay $0x3  }
0x34: {  	[smem:$0x3FB2] =	sst s10  }
0x35: {  	s10 =	sld [smem:$0x3FB1];
	_ =	sdelay $0x3  }
0x36: {  	p1 =	seq.s32 s10, $0x1;
	s10 =	sld [smem:$0x3FB2];
	_ =	sdelay $0x3  }
0x37: {  	[smem:$0x3FB2] =	sst s10  }
0x38: {  	s10 =	sld [smem:$0x3FB3]  }
0x39: {  	_ = 	snop;
	(pc) =	sbr.ind lr, $3  }
0x3a: {  	_ = 	snop  }
0x3b: {  	_ = 	snop  }
0x3c: {  	p2 =	seq.s32 s10, $0x1;
	s10 =	sld [smem:$0x3FB2]  }
0x3d: {  	_ =	shalt  }
0x3e: {  	_ =	shalt  }
0x3f: {  	_ =	shalt  }
0x40: {  	_ =	shalt  }
0x41: {  	_ =	shalt  }
0x42: {  	_ =	shalt  }
0x43: {  	_ =	shalt  }
0x44: {  	_ =	shalt  }
0x45: {  	_ =	shalt  }
0x46: {  	_ =	shalt  }
0x47: {  	_ =	shalt  }
0x48: {  	_ =	shalt  }
0x49: {  	_ =	shalt  }
0x4a: {  	_ =	shalt  }
0x4b: {  	_ =	shalt  }
0x4c: {  	_ =	shalt  }
0x4d: {  	_ =	shalt  }
0x4e: {  	_ =	shalt  }
0x4f: {  	_ =	shalt  }
0x50: {  	_ =	shalt  }
0x51: {  	_ =	shalt  }
0x52: {  	_ =	shalt  }
0x53: {  	_ =	shalt  }
0x54: {  	_ =	shalt  }
0x55: {  	_ =	shalt  }
0x56: {  	_ =	shalt  }
0x57: {  	_ =	shalt  }
0x58: {  	_ =	shalt  }
0x59: {  	_ =	shalt  }
0x5a: {  	_ =	shalt  }
0x5b: {  	_ =	shalt  }
0x5c: {  	_ =	shalt  }
0x5d: {  	_ =	shalt  }
0x5e: {  	_ =	shalt  }
0x5f: {  	_ =	shalt  }
0x60: {  	_ =	shalt  }
0x61: {  	_ =	shalt  }
0x62: {  	_ =	shalt  }
0x63: {  	_ =	shalt  }
0x64: {  	_ =	shalt  }
0x65: {  	_ =	shalt  }
0x66: {  	_ =	shalt  }
0x67: {  	_ =	shalt  }
0x68: {  	_ =	shalt  }
0x69: {  	_ =	shalt  }
0x6a: {  	_ =	shalt  }
0x6b: {  	_ =	shalt  }
0x6c: {  	_ =	shalt  }
0x6d: {  	_ =	shalt  }
0x6e: {  	_ =	shalt  }
0x6f: {  	_ =	shalt  }
0x70: {  	_ =	shalt  }
0x71: {  	_ =	shalt  }
0x72: {  	_ =	shalt  }
0x73: {  	_ =	shalt  }
0x74: {  	_ =	shalt  }
0x75: {  	_ =	shalt  }
0x76: {  	_ =	shalt  }
0x77: {  	_ =	shalt  }
0x78: {  	_ =	shalt  }
0x79: {  	_ =	shalt  }
0x7a: {  	_ =	shalt  }
0x7b: {  	_ =	shalt  }
0x7c: {  	_ =	shalt  }
0x7d: {  	_ =	shalt  }
0x7e: {  	_ =	shalt  }
0x7f: {  	_ =	shalt  }
0x80: {  	_ =	shalt  }
0x81: {  	_ =	shalt  }
0x82: {  	_ =	shalt  }
0x83: {  	_ =	shalt  }
0x84: {  	_ =	shalt  }
0x85: {  	_ =	shalt  }
0x86: {  	_ =	shalt  }
0x87: {  	_ =	shalt  }
.Lfunc_end0:
.L_simem_size_0:
called_computation.2_lowered:
.L_overlay_start_0:
0x88: {  	s2 =	sld [smem:$0x3FD9]  }
0x89: {  	s3 =	sld [smem:$0x3FFE];
	_ =	sdelay $0x1  }
0x8a: {  	s1 =	srdreg.scid  }
0x8b: {  	s0 =	sand.u32 $0x1, s1  }
0x8c: {  	s15 =	sshll.u32 s0, $0xA;
	s2 =	sadd.s32 s3, s2  }
0x8d: {  	s2 =	sadd.s32 s2, s15  }
0x8e: {  	[smem:$0x3FBE] =	sst s2  }
0x8f: {  	_ = 	snop  }
0x90: {  	s2 =	sld [smem:$0x3FD0];
	_ =	sdelay $0x2  }
0x91: {  	s16 =	simm.s32 $0xE;
	s4 =	simm.s32 $0x10  }
0x92: {  	[smem:s4], [sflag:s16] =	dma.local [hbm:s2], $0x1  }
0x93: {  	_ =	swait.eq [sflag:s16], $0x1  }
0x94: {  	[sflag:s16] =	ssyncset.done $0x0  }
0x95: {  	[sflag:s16] =	ssyncadd.s32 $0xFFFFFFFF  }
0x96: {  	s17 =	sld [smem:$0x17];
	(tm) =	ssettm $0x1  }
0x97: {  	s18 =	sld [smem:$0x3FFB];
	_ =	sdelay $0x3  }
0x98: {  	_ =	strace s18  }
0x99: {  	s2 =	sld [smem:$0x3FFC];
	_ =	sdelay $0x3  }
0x9a: {  	_ =	strace s2  }
0x9b: {  	s2 =	sld [smem:$0x3FFD];
	_ =	sdelay $0x3  }
0x9c: {  	_ =	strace s2  }
0x9d: {  	_ =	strace $0x8FFFFFFF  }
0x9e: {  	s19 =	sld [smem:$0x3FDB];
	_ =	sdelay $0x1  }
0x9f: {  	s20 =	simm.s32 $_scs_section_size  }
0xa0: {  	s5 =	simm.s32 $_size__tile_overlayer_lowered;
	s6 =	simm.s32 $_tile_overlayer_lowered  }
0xa1: {  	s7 =	simm.s32 $0x1BFF;
	s21 =	sshll.u32 s6, $0x1;
	s4 =	sadd.s32 s20, s19  }
0xa2: {  	s22 =	simm.s32 $0x0;
	s5 =	sshll.u32 s5, $0x1;
	s6 =	sadd.s32 s21, s4  }
0xa3: {  	[timem:s22], [sflag:s7] =	dma.local [hbm:s6], s5  }
0xa4: {  	_ =	swait.ge [sflag:s7], s5  }
0xa5: {  	s5 =	ssub.s32 $0x0, s5;
	[sflag:s7] =	ssyncset.done $0x0  }
0xa6: {  	[sflag:s7] =	ssyncadd.s32 s5;
	_ =	sdelay $0x1  }
0xa7: {  	s23 =	simm.s32 $0x1B8B  }
0xa8: {  	_ =	swait.ge [sflag:s23], $0x1  }
0xa9: {  	[sflag:s23] =	ssyncset.done $0x0  }
0xaa: {  	[sflag:s23] =	ssyncadd.s32 $0xFFFFFFFF  }
0xab: {  	s5 =	sld [smem:$0x0]  }
0xac: {  	s6 =	sand.u32 $0xFFFFFFFE, s1  }
0xad: {  	p0 =	sne.s32 s1, s6  }
0xae: {  	s6 =	sshll.u32 @p0 s6, $0xE  }
0xaf: {  	s6 =	sadd.s32 @p0 $0x11B8D, s6;
	s7 =	sshll.u32 @p0 s5, $0x11  }
0xb0: {  	s6 =	sor.u32 @p0 s7, s6  }
0xb1: {  	[sflag:s6] =	ssyncadd.remote.s32 @p0 $0x1;
	_ =	sdelay $0x1  }
0xb2: {  	s6 =	simm.s32 @p0 $0x1B8D  }
0xb3: {  	_ =	swait.eq @p0 [sflag:s6], $0x1  }
0xb4: {  	[sflag:s6] =	ssyncadd.s32 @p0 $0xFFFFFFFF  }
0xb5: {  	s7 =	sshll.u32 @!p0 s1, $0xE  }
0xb6: {  	s7 =	sor.u32 @!p0 $0x4000, s7;
	s6 =	simm.s32 @!p0 $0x1B8D  }
0xb7: {  	s5 =	sshll.u32 @!p0 s5, $0x11;
	s7 =	sadd.s32 @!p0 $0x11B8D, s7;
	_ =	swait.eq @!p0 [sflag:s6], $0x1  }
0xb8: {  	s5 =	sor.u32 @!p0 s5, s7;
	[sflag:s6] =	ssyncadd.s32 @!p0 $0xFFFFFFFF  }
0xb9: {  	s25 =	simm.s32 $0x1B8E;
	s24 =	sld [smem:$0x3FFE];
	[sflag:s5] =	ssyncadd.remote.s32 @!p0 $0x1  }
0xba: {  	s26 =	simm.s32 $execute0_lowered;
	[smem:$0x3FD2] =	sst s25  }
0xbb: {  	s6 =	sshll.u32 s26, $0x1;
	_ =	strace $0x80000049;
	[dreg:$0x1] =	wrdreg $0xFFFFFFFF  }
0xbc: {  	s28 =	simm.s32 $_size_execute0_lowered;
	s4 =	sadd.s32 s4, s6;
	[dreg:$0x0] =	wrdreg $0x0  }
0xbd: {  	s6 =	sshll.u32 s28, $0x1;
	[dreg:$0x2] =	wrdreg s4  }
0xbe: {  	[dreg:$0x3] =	wrdreg s6  }
0xbf: {  	[dreg:$0x4] =	wrdreg $0xC0  }
0xc0: {  	_ =	task [dreg:s22], $0x5FFFF  }
0xc1: {  	[dreg:$0x1] =	wrdreg $0xFFFFFFFF  }
0xc2: {  	[dreg:$0x0] =	wrdreg $0x60  }
0xc3: {  	[dreg:$0x2] =	wrdreg s24  }
0xc4: {  	[dreg:$0x3] =	wrdreg s17  }
0xc5: {  	[dreg:$0x4] =	wrdreg $0xA  }
0xc6: {  	_ =	task.clear_ibuf [dreg:s22], $0x5FFFF;
	_ =	strace $0x90000049  }
0xc7: {  	s29 =	simm.s32 $0xA;
	_ =	strace $0x8000004B  }
0xc8: {  	_ =	swait.ge [sflag:s29], $0x1  }
0xc9: {  	[sflag:s29] =	ssyncadd.s32 $0xFFFFFFFF  }
0xca: {  	_ =	strace $0x9000004B  }
0xcb: {  	_ =	sfence  }
0xcc: {  	s30 =	sld [smem:$0x0];
	_ =	sdelay $0x2  }
0xcd: {  	s31 =	sshll.u32 s1, $0xD;
	s1 =	sshrl.u32 s1, $0x2  }
0xce: {  	s4 =	sand.u32 $0x4000, s31;
	s1 =	sadd.s32 s1, s30  }
0xcf: {  	s0 =	sor.u32 s4, s0;
	s1 =	sshll.u32 s1, $0x11  }
0xd0: {  	s0 =	sor.u32 s1, s0  }
0xd1: {  	s0 =	sadd.s32 $0x8F2B, s0  }
0xd2: {  	[sflag:s0] =	ssyncadd.remote.s32 $0x1  }
0xd3: {  	_ =	sfence.sel $0xFFFF  }
0xd4: {  	[dreg:$0x0] =	wrdreg $0xFFFFFFFF;
	(pc) =	sbr.abs _section_cstart, $3  }
0xd5: {  	[dreg:$0x1] =	wrdreg $0xFFFFFFFF  }
0xd6: {  	_ =	task.clear_ibuf [dreg:s22], $0x2FFFF;
	_ =	strace $0x9FFFFFFF  }
0xd7: {  	(tm) =	ssettm $0x7FFFFFFF  }
tec
execute0_lowered:
.L_overlay_start_1:
0x0: {  	(tag) =	ssettag $0x1  }
0x1: {  	s7 =	rddreg [dreg:$0x0]  }
0x2: {  	s2 =	rddreg [dreg:$0x1]  }
0x3: {  	s0 =	rddreg [dreg:$0x2]  }
0x4: {  	s1 =	srdreg.scid;
	_ =	strace $0x8000004A;
	s4 =	simm.s32 $0x1  }
0x5: {  	s9 =	simm.s32 $0x3;
	s12 =	simm.s32 $0x0;
	s5 =	sshll.u32 s1, $0x4  }
.Ltmp0:
0x6: {  	s1 =	stileid.u32;
	s5 =	sand.u32 $0x10, s5;
	(pc) =	sbr.rel .LBB2_1-.Ltmp0, $4  }
0x7: {  	s10 =	simm.s32 $0x0;
	s3 =	sadd.s32 $0x19A200, s7;
	s6 =	sor.u32 s1, s5  }
0x8: {  	[sflag:s4] =	ssyncpa.u1 $0x0;
	s5 =	simm.s32 $0x2;
	s6 =	sshll.u32 s6, $0x7  }
0x9: {  	s7 =	sadd.s32 $0x320C00, s7;
	[sflag:s5] =	ssyncpa.u1 $0x0;
	s8 =	sadd.s32 $0x80, s6  }
0xa: {  	vm0 =	vmmov $0xff;
	vm1 =	vcmask $0x3F20;
	[sflag:s9] =	ssyncpa.u1 $0x0;
	s9 =	simm.s32 $0x80;
	s11 =	smov.u32 s6  }
.LBB2_9:
0xb: {  	p0 =	seq.s32 s10, $0x2  }
.Ltmp1:
0xc: {  	_ = 	snop;
	(pc) =	sbr.rel @p0 .LBB2_11-.Ltmp1, $1  }
0xd: {  	_ =	sdelay $0x3  }
.LBB2_10:
0xe: {  	s12 =	sadd.s32 $0x80, s11  }
0xf: {  	s13 =	smov.u32 s6;
	p0 =	slt.s32 s12, s8  }
0x10: {  	s13 =	smov.u32 @p0 s12  }
0x11: {  	s10 =	sadd.s32 $0x1, s10;
	s12 =	smov.u32 s11;
	s11 =	smov.u32 s13  }
.LBB2_1:
0x12: {  	p0 =	sne.s32 s10, $0x0  }
.Ltmp2:
0x13: {  	_ = 	snop;
	(pc) =	sbr.rel @!p0 .LBB2_2-.Ltmp2, $1  }
0x14: {  	_ =	sdelay $0x3  }
0x15: {  	s13 =	sand.u32 $0x1, s10  }
0x16: {  	p0 =	seq.s32 s13, $0x0  }
.Ltmp3:
0x17: {  	_ = 	snop;
	(pc) =	sbr.rel @p0 .LBB2_9-.Ltmp3, $1  }
0x18: {  	_ =	sdelay $0x3  }
0x19: {  	_ =	swait.ge [sflag:s5], $0x80  }
0x1a: {  	[sflag:s5] =	ssyncset.done $0x0  }
0x1b: {  	s13 =	simm.s32 $0x0;
	[sflag:s5] =	ssyncadd.s32 $0xFFFFFF80  }
0x1c: {  	v0 =	vld.msk [tilespmem:s13+$0x80 ss:$0x1], $0xffff;
	_ =	sdelay $0x4  }
0x1d: {  	vm2 =	vgt.s32 v0, $0x0  }
0x1e: {  	v0 =	vnsel vm2, $0x0, v0  }
0x1f: {  	v0 =	vmin.u32 v0, $0x1869F  }
0x20: {  	v0 =	vshll.u32 v0, $0x4;
	_ =	sdelay $0x3  }
0x21: {  	s13 =	simm.s32 $0x4100  }
0x22: {  	[tilespmem:s13], [sflag:$0x1] =	stream.indirect_vreg.gather [hbm:s3], $0x80, v0, vm0, $0x38;
	[tilespmem:$0x8100] =	vst v63  }
0x23: {  	s14 =	simm.s32 $0x4500;
	s31 =	simm.s32 $0x10  }
0x24: {  	[tilespmem:s14], [sflag:$0x1] =	stream.indirect_vreg.gather [hbm:s3], $0x80, v0, vm1, $0x38;
	[tilespmem:$0x8100] =	vst v63  }
0x25: {  	s14 =	simm.s32 $0x80;
	v0 =	vld.msk [tilespmem:s31+$0x80 ss:$0x1], $0xffff  }
.LBB2_5:
0x26: {  	p0 =	sne.s32 s14, $0x1C0;
	_ =	sdelay $0x4  }
0x27: {  	vm2 =	vgt.s32 v0, $0x0  }
0x28: {  	v0 =	vnsel vm2, $0x0, v0  }
0x29: {  	v0 =	vmin.u32 v0, $0x1869F  }
0x2a: {  	v0 =	vshll.u32 v0, $0x4;
	_ =	sdelay $0x3  }
.Ltmp4:
0x2b: {  	s13 =	sadd.s32 $0x800, s13;
	(pc) =	sbr.rel @p0 .LBB2_5-.Ltmp4, $4  }
0x2c: {  	[tilespmem:s13], [sflag:$0x1] =	stream.indirect_vreg.gather [hbm:s3], $0x80, v0, vm0, $0x38;
	[tilespmem:$0x8100] =	vst v63  }
0x2d: {  	s15 =	sshra.s32 s14, $0x2;
	s16 =	sadd.s32 $0x400, s13  }
0x2e: {  	[tilespmem:s16], [sflag:$0x1] =	stream.indirect_vreg.gather [hbm:s3], $0x80, v0, vm1, $0x38;
	[tilespmem:$0x8100] =	vst v63  }
0x2f: {  	s14 =	sadd.s32 $0x40, s14;
	v0 =	vld.msk [tilespmem:s15+$0x80 ss:$0x1], $0xffff  }
0x30: {  	_ =	sdelay $0x3  }
0x31: {  	vm2 =	vgt.s32 v0, $0x0  }
0x32: {  	v0 =	vnsel vm2, $0x0, v0  }
0x33: {  	v0 =	vmin.u32 v0, $0x1869F  }
0x34: {  	v0 =	vshll.u32 v0, $0x4;
	_ =	sdelay $0x3  }
0x35: {  	s13 =	sadd.s32 $0x800, s13  }
0x36: {  	[tilespmem:s13], [sflag:$0x1] =	stream.indirect_vreg.gather [hbm:s3], $0x80, v0, vm0, $0x38;
	[tilespmem:$0x8100] =	vst v63  }
0x37: {  	s13 =	sadd.s32 $0x400, s13  }
0x38: {  	[tilespmem:s13], [sflag:$0x1] =	stream.indirect_vreg.gather [hbm:s3], $0x80, v0, vm1, $0x38;
	[tilespmem:$0x8100] =	vst v63  }
0x39: {  	s12 =	sshll.u32 s12, $0x4;
	s14 =	simm.s32 $0x80;
	_ =	swait.ge [sflag:s4], $0x4000  }
0x3a: {  	s15 =	simm.s32 $0x4500;
	s12 =	sadd.s32 s12, s7;
	[sflag:s4] =	ssyncset.done $0x0  }
0x3b: {  	s16 =	sadd.s32 $0x0, s12;
	s13 =	simm.s32 $0x4100;
	[sflag:s4] =	ssyncadd.s32 $0xFFFFC000  }
.LBB2_7:
0x3c: {  	[hbm:s16] =	stream.linear.scatter [tilespmem:s13], [sflag:$0x3], $0x400, $0x38;
	[tilespmem:$0x8100] =	vst v63  }
0x3d: {  	s16 =	smov.u32 s14;
	s13 =	smov.u32 s15;
	p0 =	sne.s32 s14, $0x780  }
.Ltmp5:
0x3e: {  	s14 =	sadd.s32 $0x80, s14;
	(pc) =	sbr.rel @p0 .LBB2_7-.Ltmp5, $2  }
0x3f: {  	_ =	sdelay $0x2  }
0x40: {  	s15 =	sadd.s32 $0x400, s15;
	s16 =	sadd.s32 s16, s12  }
.Ltmp6:
0x41: {  	(pc) =	sbr.rel .LBB2_9-.Ltmp6, $2  }
0x42: {  	_ =	sdelay $0x2  }
0x43: {  	[hbm:s16] =	stream.linear.scatter [tilespmem:s13], [sflag:$0x3], $0x400, $0x38;
	[tilespmem:$0x8100] =	vst v63  }
.LBB2_2:
.Ltmp7:
0x44: {  	(pc) =	sbr.rel .LBB2_10-.Ltmp7, $4  }
0x45: {  	_ = 	snop  }
0x46: {  	s12 =	sshrl.u32 s11, $0x3  }
0x47: {  	s13 =	sand.u32 $0x7, s11;
	s12 =	sadd.s32 s2, s12  }
0x48: {  	[tilespmem:s9], [sflag:$0x2] =	stream.linear.gather [hbm4b:s12+s13], $0x80, $0x38;
	[tilespmem:$0x8100] =	vst v63  }
.LBB2_11:
0x49: {  	s2 =	simm.s32 $0x3  }
0x4a: {  	_ =	swait.ge [sflag:s2], $0x4000  }
0x4b: {  	[sflag:s2] =	ssyncset.done $0x0  }
0x4c: {  	[sflag:s2] =	ssyncadd.s32 $0xFFFFC000  }
0x4d: {  	_ =	sfence.sel $0x180000  }
0x4e: {  	s3 =	simm.s32 $0x2;
	[bflag:$0x0] =	sbarrier.arrive $0xFFFF  }
0x4f: {  	[sflag:s3] =	ssyncpa.u1 $0x1  }
0x50: {  	s31 =	simm.s32 $0x1;
	[sflag:s2] =	ssyncpa.u1 $0x1  }
0x51: {  	[sflag:s31] =	ssyncpa.u1 $0x1  }
0x52: {  	p0 =	sne.s32 s1, $0x0;
	_ =	strace $0x9000004A  }
0x53: {  	s0 =	sadd.s32 @!p0 $0x100000, s0;
	[bflag:$0x2] =	sbarrier.arrive $0xFFFF  }
0x54: {  	[sflag:s0] =	ssyncadd.tile.s32 @!p0 $0x1;
	_ =	shalt  }
.Lfunc_end2:
_tile_overlayer_lowered:
.L_overlay_start_2:
0x55: {  	(tag) =	ssettag $0x2  }
0x56: {  	s0 =	rddreg [dreg:$0x0];
	s2 =	stileid.u32  }
0x57: {  	s1 =	rddreg [dreg:$0x1];
	p0 =	sne.s32 s2, $0x0  }
0x58: {  	s3 =	rddreg [dreg:$0x2];
	[bflag:$0x3] =	sbarrier.arrive $0xFFFF;
	s2 =	simm.s32 @!p0 $0x1C01  }
0x59: {  	[timem:s3], [sflag:s2] =	dma.local @!p0 [hbm:s0], s1  }
0x5a: {  	s0 =	simm.s32 @!p0 $0x1  }
0x5b: {  	_ =	swait.ge @!p0 [sflag:s0], s1  }
0x5c: {  	s1 =	ssub.s32 @!p0 $0x0, s1;
	[sflag:s0] =	ssyncset.done @!p0 $0x0  }
0x5d: {  	[sflag:s0] =	ssyncadd.s32 @!p0 s1  }
0x5e: {  	[bflag:$0x3] =	sbarrier.arrive $0xFFFF  }
0x5f: {  	_ =	shalt  }

// kernel: gather_offload_async_start.3
scs
__scs_entry_jumppad:
0x0: {  	(pc) =	sbr.rel $0x88, $3  }
0x1: {  	(tag) =	ssettag $0x0;
	lr =	simm.s32 $0x1  }
0x2: {  	[smem:$0x3F97] =	sst lr;
	_ =	strace $0xD0000000  }
0x3: {  	_ = 	snop  }
0x4: {  	_ = 	snop  }
0x5: {  	_ = 	snop  }
0x6: {  	_ = 	snop  }
0x7: {  	_ = 	snop  }
__scs_overlays_trampoline_lowered:
0x8: {  	[smem:$0x3FA6] =	sst s0  }
0x9: {  	[smem:$0x3FA7] =	sst s1  }
0xa: {  	[smem:$0x3FA8] =	sst s2  }
0xb: {  	[smem:$0x3FA9] =	sst s3  }
0xc: {  	[smem:$0x3FAA] =	sst s4  }
0xd: {  	[smem:$0x3FAB] =	sst s5  }
0xe: {  	[smem:$0x3FAC] =	sst s6  }
0xf: {  	[smem:$0x3FAD] =	sst s7  }
0x10: {  	[smem:$0x3FAE] =	sst s8  }
0x11: {  	[smem:$0x3FAF] =	sst s9;
	s0 =	simm.s32 @!p0 $0x0  }
0x12: {  	s1 =	sld [smem:$0x3F95];
	s0 =	simm.s32 @p0 $0x1  }
0x13: {  	[smem:$0x3FB0] =	sst s0;
	s0 =	simm.s32 @!p1 $0x0  }
0x14: {  	s2 =	sld [smem:$0x3F94];
	s0 =	simm.s32 @p1 $0x1  }
0x15: {  	[smem:$0x3FB1] =	sst s0;
	s0 =	simm.s32 @!p2 $0x0  }
0x16: {  	s3 =	sld [smem:$0x3FDB];
	s0 =	simm.s32 @p2 $0x1  }
0x17: {  	s4 =	simm.s32 $0x1BF5;
	[smem:$0x3FB3] =	sst s0  }
0x18: {  	s0 =	sld [smem:$0x3F96];
	_ =	swait.ge [sflag:s4], $0x0  }
0x19: {  	s7 =	sld [smem:$0x3F97]  }
0x1a: {  	s8 =	sadd.s32 $0xFFFFE003, lr  }
0x1b: {  	s9 =	sadd.s32 $0xFFFFFEF7, lr;
	s5 =	simm.s32 $0xFFFFFFFF;
	p2 =	slt.u32 s8, $0xFFFFF086  }
0x1c: {  	p1 =	slt.u32 s9, $0xF7A;
	s5 =	simm.s32 @!p2 $0x0  }
0x1d: {  	s5 =	simm.s32 @p1 $0x1;
	p0 =	seq.s32 s7, s2  }
0x1e: {  	s7 =	smul.u32 @!p0 $0xF7A, s2;
	p2 =	seq.s32 @!p0 s5, $0x0  }
0x1f: {  	s9 =	smul.u32 $0xF7A, s1;
	s8 =	simm.s32 @!p0 $0x1BF5;
	p2 =	por !p2, p0  }
0x20: {  	[sflag:s8] =	ssyncset.s32 @!p0 $0xFFFFF086;
	s6 =	sadd.s32 @!p0 s3, s7;
	s7 =	simm.s32 @!p0 $0x108  }
0x21: {  	s3 =	sadd.s32 s3, s9;
	s6 =	sadd.s32 @!p0 $0x88, s6;
	s7 =	simm.s32 @p2 $0x1082  }
0x22: {  	[simem:s7], [sflag:s8] =	dma.local @!p0 [hbm:s6], $0xF7A  }
0x23: {  	s9 =	sor.u32 $0xD0000000, s2;
	s6 =	simm.s32 $0x108;
	_ =	swait.ge @!p0 [sflag:s8], $0x0  }
0x24: {  	s3 =	sadd.s32 $0x88, s3;
	s6 =	simm.s32 @!p1 $0x1082;
	[sflag:s4] =	ssyncset.s32 $0xFFFFF086  }
0x25: {  	[simem:s6], [sflag:s4] =	dma.local [hbm:s3], $0xF7A  }
0x26: {  	[smem:$0x3F97] =	sst s1;
	(tag) =	ssettag s2;
	_ =	strace s9  }
0x27: {  	s1 =	sld [smem:$0x3FA7]  }
0x28: {  	s2 =	sld [smem:$0x3FA8]  }
0x29: {  	s4 =	sld [smem:$0x3FAA]  }
0x2a: {  	p0 =	seq.s32 s5, $0x0;
	s5 =	sld [smem:$0x3FAB]  }
0x2b: {  	s6 =	sld [smem:$0x3FAC]  }
0x2c: {  	s7 =	sld [smem:$0x3FAD]  }
0x2d: {  	s3 =	simm.s32 $0x108;
	s8 =	sld [smem:$0x3FAE]  }
0x2e: {  	s3 =	simm.s32 @!p0 $0x1082;
	s9 =	sld [smem:$0x3FAF]  }
0x2f: {  	lr =	sadd.s32 s0, s3;
	s0 =	sld [smem:$0x3FA6]  }
0x30: {  	s3 =	sld [smem:$0x3FA9]  }
0x31: {  	[smem:$0x3FB2] =	sst s10  }
0x32: {  	s10 =	sld [smem:$0x3FB0];
	_ =	sdelay $0x3  }
0x33: {  	p0 =	seq.s32 s10, $0x1;
	s10 =	sld [smem:$0x3FB2];
	_ =	sdelay $0x3  }
0x34: {  	[smem:$0x3FB2] =	sst s10  }
0x35: {  	s10 =	sld [smem:$0x3FB1];
	_ =	sdelay $0x3  }
0x36: {  	p1 =	seq.s32 s10, $0x1;
	s10 =	sld [smem:$0x3FB2];
	_ =	sdelay $0x3  }
0x37: {  	[smem:$0x3FB2] =	sst s10  }
0x38: {  	s10 =	sld [smem:$0x3FB3]  }
0x39: {  	_ = 	snop;
	(pc) =	sbr.ind lr, $3  }
0x3a: {  	_ = 	snop  }
0x3b: {  	_ = 	snop  }
0x3c: {  	p2 =	seq.s32 s10, $0x1;
	s10 =	sld [smem:$0x3FB2]  }
0x3d: {  	_ =	shalt  }
0x3e: {  	_ =	shalt  }
0x3f: {  	_ =	shalt  }
0x40: {  	_ =	shalt  }
0x41: {  	_ =	shalt  }
0x42: {  	_ =	shalt  }
0x43: {  	_ =	shalt  }
0x44: {  	_ =	shalt  }
0x45: {  	_ =	shalt  }
0x46: {  	_ =	shalt  }
0x47: {  	_ =	shalt  }
0x48: {  	_ =	shalt  }
0x49: {  	_ =	shalt  }
0x4a: {  	_ =	shalt  }
0x4b: {  	_ =	shalt  }
0x4c: {  	_ =	shalt  }
0x4d: {  	_ =	shalt  }
0x4e: {  	_ =	shalt  }
0x4f: {  	_ =	shalt  }
0x50: {  	_ =	shalt  }
0x51: {  	_ =	shalt  }
0x52: {  	_ =	shalt  }
0x53: {  	_ =	shalt  }
0x54: {  	_ =	shalt  }
0x55: {  	_ =	shalt  }
0x56: {  	_ =	shalt  }
0x57: {  	_ =	shalt  }
0x58: {  	_ =	shalt  }
0x59: {  	_ =	shalt  }
0x5a: {  	_ =	shalt  }
0x5b: {  	_ =	shalt  }
0x5c: {  	_ =	shalt  }
0x5d: {  	_ =	shalt  }
0x5e: {  	_ =	shalt  }
0x5f: {  	_ =	shalt  }
0x60: {  	_ =	shalt  }
0x61: {  	_ =	shalt  }
0x62: {  	_ =	shalt  }
0x63: {  	_ =	shalt  }
0x64: {  	_ =	shalt  }
0x65: {  	_ =	shalt  }
0x66: {  	_ =	shalt  }
0x67: {  	_ =	shalt  }
0x68: {  	_ =	shalt  }
0x69: {  	_ =	shalt  }
0x6a: {  	_ =	shalt  }
0x6b: {  	_ =	shalt  }
0x6c: {  	_ =	shalt  }
0x6d: {  	_ =	shalt  }
0x6e: {  	_ =	shalt  }
0x6f: {  	_ =	shalt  }
0x70: {  	_ =	shalt  }
0x71: {  	_ =	shalt  }
0x72: {  	_ =	shalt  }
0x73: {  	_ =	shalt  }
0x74: {  	_ =	shalt  }
0x75: {  	_ =	shalt  }
0x76: {  	_ =	shalt  }
0x77: {  	_ =	shalt  }
0x78: {  	_ =	shalt  }
0x79: {  	_ =	shalt  }
0x7a: {  	_ =	shalt  }
0x7b: {  	_ =	shalt  }
0x7c: {  	_ =	shalt  }
0x7d: {  	_ =	shalt  }
0x7e: {  	_ =	shalt  }
0x7f: {  	_ =	shalt  }
0x80: {  	_ =	shalt  }
0x81: {  	_ =	shalt  }
0x82: {  	_ =	shalt  }
0x83: {  	_ =	shalt  }
0x84: {  	_ =	shalt  }
0x85: {  	_ =	shalt  }
0x86: {  	_ =	shalt  }
0x87: {  	_ =	shalt  }
.Lfunc_end0:
.L_simem_size_0:
called_computation.3_lowered:
.L_overlay_start_0:
0x88: {  	s2 =	sld [smem:$0x3FD9]  }
0x89: {  	s3 =	sld [smem:$0x3FFE];
	_ =	sdelay $0x1  }
0x8a: {  	s1 =	srdreg.scid  }
0x8b: {  	s0 =	sand.u32 $0x1, s1  }
0x8c: {  	s15 =	sshll.u32 s0, $0xA;
	s2 =	sadd.s32 s3, s2  }
0x8d: {  	s2 =	sadd.s32 s2, s15  }
0x8e: {  	[smem:$0x3FBE] =	sst s2  }
0x8f: {  	_ = 	snop  }
0x90: {  	s2 =	sld [smem:$0x3FD0];
	_ =	sdelay $0x2  }
0x91: {  	s16 =	simm.s32 $0xE;
	s4 =	simm.s32 $0x10  }
0x92: {  	[smem:s4], [sflag:s16] =	dma.local [hbm:s2], $0x1  }
0x93: {  	_ =	swait.eq [sflag:s16], $0x1  }
0x94: {  	[sflag:s16] =	ssyncset.done $0x0  }
0x95: {  	[sflag:s16] =	ssyncadd.s32 $0xFFFFFFFF  }
0x96: {  	s17 =	sld [smem:$0x17];
	(tm) =	ssettm $0x1  }
0x97: {  	s18 =	sld [smem:$0x3FFB];
	_ =	sdelay $0x3  }
0x98: {  	_ =	strace s18  }
0x99: {  	s2 =	sld [smem:$0x3FFC];
	_ =	sdelay $0x3  }
0x9a: {  	_ =	strace s2  }
0x9b: {  	s2 =	sld [smem:$0x3FFD];
	_ =	sdelay $0x3  }
0x9c: {  	_ =	strace s2  }
0x9d: {  	_ =	strace $0x8FFFFFFF  }
0x9e: {  	s19 =	sld [smem:$0x3FDB];
	_ =	sdelay $0x1  }
0x9f: {  	s20 =	simm.s32 $_scs_section_size  }
0xa0: {  	s5 =	simm.s32 $_size__tile_overlayer_lowered;
	s6 =	simm.s32 $_tile_overlayer_lowered  }
0xa1: {  	s7 =	simm.s32 $0x1BFF;
	s21 =	sshll.u32 s6, $0x1;
	s4 =	sadd.s32 s20, s19  }
0xa2: {  	s22 =	simm.s32 $0x0;
	s5 =	sshll.u32 s5, $0x1;
	s6 =	sadd.s32 s21, s4  }
0xa3: {  	[timem:s22], [sflag:s7] =	dma.local [hbm:s6], s5  }
0xa4: {  	_ =	swait.ge [sflag:s7], s5  }
0xa5: {  	s5 =	ssub.s32 $0x0, s5;
	[sflag:s7] =	ssyncset.done $0x0  }
0xa6: {  	[sflag:s7] =	ssyncadd.s32 s5;
	_ =	sdelay $0x1  }
0xa7: {  	s23 =	simm.s32 $0x1B8B  }
0xa8: {  	_ =	swait.ge [sflag:s23], $0x1  }
0xa9: {  	[sflag:s23] =	ssyncset.done $0x0  }
0xaa: {  	[sflag:s23] =	ssyncadd.s32 $0xFFFFFFFF  }
0xab: {  	s5 =	sld [smem:$0x0]  }
0xac: {  	s6 =	sand.u32 $0xFFFFFFFE, s1  }
0xad: {  	p0 =	sne.s32 s1, s6  }
0xae: {  	s6 =	sshll.u32 @p0 s6, $0xE  }
0xaf: {  	s6 =	sadd.s32 @p0 $0x11B8D, s6;
	s7 =	sshll.u32 @p0 s5, $0x11  }
0xb0: {  	s6 =	sor.u32 @p0 s7, s6  }
0xb1: {  	[sflag:s6] =	ssyncadd.remote.s32 @p0 $0x1;
	_ =	sdelay $0x1  }
0xb2: {  	s6 =	simm.s32 @p0 $0x1B8D  }
0xb3: {  	_ =	swait.eq @p0 [sflag:s6], $0x1  }
0xb4: {  	[sflag:s6] =	ssyncadd.s32 @p0 $0xFFFFFFFF  }
0xb5: {  	s7 =	sshll.u32 @!p0 s1, $0xE  }
0xb6: {  	s7 =	sor.u32 @!p0 $0x4000, s7;
	s6 =	simm.s32 @!p0 $0x1B8D  }
0xb7: {  	s5 =	sshll.u32 @!p0 s5, $0x11;
	s7 =	sadd.s32 @!p0 $0x11B8D, s7;
	_ =	swait.eq @!p0 [sflag:s6], $0x1  }
0xb8: {  	s5 =	sor.u32 @!p0 s5, s7;
	[sflag:s6] =	ssyncadd.s32 @!p0 $0xFFFFFFFF  }
0xb9: {  	s25 =	simm.s32 $0x1B8E;
	s24 =	sld [smem:$0x3FFE];
	[sflag:s5] =	ssyncadd.remote.s32 @!p0 $0x1  }
0xba: {  	s26 =	simm.s32 $execute0_lowered;
	[smem:$0x3FD2] =	sst s25  }
0xbb: {  	s6 =	sshll.u32 s26, $0x1;
	_ =	strace $0x8000004C;
	[dreg:$0x1] =	wrdreg $0xFFFFFFFF  }
0xbc: {  	s28 =	simm.s32 $_size_execute0_lowered;
	s4 =	sadd.s32 s4, s6;
	[dreg:$0x0] =	wrdreg $0x0  }
0xbd: {  	s6 =	sshll.u32 s28, $0x1;
	[dreg:$0x2] =	wrdreg s4  }
0xbe: {  	[dreg:$0x3] =	wrdreg s6  }
0xbf: {  	[dreg:$0x4] =	wrdreg $0xC0  }
0xc0: {  	_ =	task [dreg:s22], $0x5FFFF  }
0xc1: {  	[dreg:$0x1] =	wrdreg $0xFFFFFFFF  }
0xc2: {  	[dreg:$0x0] =	wrdreg $0x60  }
0xc3: {  	[dreg:$0x2] =	wrdreg s24  }
0xc4: {  	[dreg:$0x3] =	wrdreg s17  }
0xc5: {  	[dreg:$0x4] =	wrdreg $0xB  }
0xc6: {  	_ =	task.clear_ibuf [dreg:s22], $0x5FFFF;
	_ =	strace $0x9000004C  }
0xc7: {  	s29 =	simm.s32 $0xB;
	_ =	strace $0x8000004E  }
0xc8: {  	_ =	swait.ge [sflag:s29], $0x1  }
0xc9: {  	[sflag:s29] =	ssyncadd.s32 $0xFFFFFFFF  }
0xca: {  	_ =	strace $0x9000004E  }
0xcb: {  	_ =	sfence  }
0xcc: {  	s30 =	sld [smem:$0x0];
	_ =	sdelay $0x2  }
0xcd: {  	s31 =	sshll.u32 s1, $0xD;
	s1 =	sshrl.u32 s1, $0x2  }
0xce: {  	s4 =	sand.u32 $0x4000, s31;
	s1 =	sadd.s32 s1, s30  }
0xcf: {  	s0 =	sor.u32 s4, s0;
	s1 =	sshll.u32 s1, $0x11  }
0xd0: {  	s0 =	sor.u32 s1, s0  }
0xd1: {  	s0 =	sadd.s32 $0x8F2B, s0  }
0xd2: {  	[sflag:s0] =	ssyncadd.remote.s32 $0x1  }
0xd3: {  	_ =	sfence.sel $0xFFFF  }
0xd4: {  	[dreg:$0x0] =	wrdreg $0xFFFFFFFF;
	(pc) =	sbr.abs _section_cstart, $3  }
0xd5: {  	[dreg:$0x1] =	wrdreg $0xFFFFFFFF  }
0xd6: {  	_ =	task.clear_ibuf [dreg:s22], $0x2FFFF;
	_ =	strace $0x9FFFFFFF  }
0xd7: {  	(tm) =	ssettm $0x7FFFFFFF  }
tec
execute0_lowered:
.L_overlay_start_1:
0x0: {  	(tag) =	ssettag $0x1  }
0x1: {  	s7 =	rddreg [dreg:$0x0]  }
0x2: {  	s2 =	rddreg [dreg:$0x1]  }
0x3: {  	s0 =	rddreg [dreg:$0x2]  }
0x4: {  	s1 =	srdreg.scid;
	_ =	strace $0x8000004D;
	s4 =	simm.s32 $0x1  }
0x5: {  	s9 =	simm.s32 $0x3;
	s12 =	simm.s32 $0x0;
	s5 =	sshll.u32 s1, $0x4  }
.Ltmp0:
0x6: {  	s1 =	stileid.u32;
	s5 =	sand.u32 $0x10, s5;
	(pc) =	sbr.rel .LBB2_1-.Ltmp0, $4  }
0x7: {  	s10 =	simm.s32 $0x0;
	s3 =	sadd.s32 $0x330C00, s7;
	s6 =	sor.u32 s1, s5  }
0x8: {  	[sflag:s4] =	ssyncpa.u1 $0x0;
	s5 =	simm.s32 $0x2;
	s6 =	sshll.u32 s6, $0x7  }
0x9: {  	s7 =	sadd.s32 $0x4B7600, s7;
	[sflag:s5] =	ssyncpa.u1 $0x0;
	s8 =	sadd.s32 $0x80, s6  }
0xa: {  	vm0 =	vmmov $0xff;
	vm1 =	vcmask $0x3F20;
	[sflag:s9] =	ssyncpa.u1 $0x0;
	s9 =	simm.s32 $0x80;
	s11 =	smov.u32 s6  }
.LBB2_9:
0xb: {  	p0 =	seq.s32 s10, $0x2  }
.Ltmp1:
0xc: {  	_ = 	snop;
	(pc) =	sbr.rel @p0 .LBB2_11-.Ltmp1, $1  }
0xd: {  	_ =	sdelay $0x3  }
.LBB2_10:
0xe: {  	s12 =	sadd.s32 $0x80, s11  }
0xf: {  	s13 =	smov.u32 s6;
	p0 =	slt.s32 s12, s8  }
0x10: {  	s13 =	smov.u32 @p0 s12  }
0x11: {  	s10 =	sadd.s32 $0x1, s10;
	s12 =	smov.u32 s11;
	s11 =	smov.u32 s13  }
.LBB2_1:
0x12: {  	p0 =	sne.s32 s10, $0x0  }
.Ltmp2:
0x13: {  	_ = 	snop;
	(pc) =	sbr.rel @!p0 .LBB2_2-.Ltmp2, $1  }
0x14: {  	_ =	sdelay $0x3  }
0x15: {  	s13 =	sand.u32 $0x1, s10  }
0x16: {  	p0 =	seq.s32 s13, $0x0  }
.Ltmp3:
0x17: {  	_ = 	snop;
	(pc) =	sbr.rel @p0 .LBB2_9-.Ltmp3, $1  }
0x18: {  	_ =	sdelay $0x3  }
0x19: {  	_ =	swait.ge [sflag:s5], $0x80  }
0x1a: {  	[sflag:s5] =	ssyncset.done $0x0  }
0x1b: {  	s13 =	simm.s32 $0x0;
	[sflag:s5] =	ssyncadd.s32 $0xFFFFFF80  }
0x1c: {  	v0 =	vld.msk [tilespmem:s13+$0x80 ss:$0x1], $0xffff;
	_ =	sdelay $0x4  }
0x1d: {  	vm2 =	vgt.s32 v0, $0x0  }
0x1e: {  	v0 =	vnsel vm2, $0x0, v0  }
0x1f: {  	v0 =	vmin.u32 v0, $0x1869F  }
0x20: {  	v0 =	vshll.u32 v0, $0x4;
	_ =	sdelay $0x3  }
0x21: {  	s13 =	simm.s32 $0x4100  }
0x22: {  	[tilespmem:s13], [sflag:$0x1] =	stream.indirect_vreg.gather [hbm:s3], $0x80, v0, vm0, $0x38;
	[tilespmem:$0x8100] =	vst v63  }
0x23: {  	s14 =	simm.s32 $0x4500;
	s31 =	simm.s32 $0x10  }
0x24: {  	[tilespmem:s14], [sflag:$0x1] =	stream.indirect_vreg.gather [hbm:s3], $0x80, v0, vm1, $0x38;
	[tilespmem:$0x8100] =	vst v63  }
0x25: {  	s14 =	simm.s32 $0x80;
	v0 =	vld.msk [tilespmem:s31+$0x80 ss:$0x1], $0xffff  }
.LBB2_5:
0x26: {  	p0 =	sne.s32 s14, $0x1C0;
	_ =	sdelay $0x4  }
0x27: {  	vm2 =	vgt.s32 v0, $0x0  }
0x28: {  	v0 =	vnsel vm2, $0x0, v0  }
0x29: {  	v0 =	vmin.u32 v0, $0x1869F  }
0x2a: {  	v0 =	vshll.u32 v0, $0x4;
	_ =	sdelay $0x3  }
.Ltmp4:
0x2b: {  	s13 =	sadd.s32 $0x800, s13;
	(pc) =	sbr.rel @p0 .LBB2_5-.Ltmp4, $4  }
0x2c: {  	[tilespmem:s13], [sflag:$0x1] =	stream.indirect_vreg.gather [hbm:s3], $0x80, v0, vm0, $0x38;
	[tilespmem:$0x8100] =	vst v63  }
0x2d: {  	s15 =	sshra.s32 s14, $0x2;
	s16 =	sadd.s32 $0x400, s13  }
0x2e: {  	[tilespmem:s16], [sflag:$0x1] =	stream.indirect_vreg.gather [hbm:s3], $0x80, v0, vm1, $0x38;
	[tilespmem:$0x8100] =	vst v63  }
0x2f: {  	s14 =	sadd.s32 $0x40, s14;
	v0 =	vld.msk [tilespmem:s15+$0x80 ss:$0x1], $0xffff  }
0x30: {  	_ =	sdelay $0x3  }
0x31: {  	vm2 =	vgt.s32 v0, $0x0  }
0x32: {  	v0 =	vnsel vm2, $0x0, v0  }
0x33: {  	v0 =	vmin.u32 v0, $0x1869F  }
0x34: {  	v0 =	vshll.u32 v0, $0x4;
	_ =	sdelay $0x3  }
0x35: {  	s13 =	sadd.s32 $0x800, s13  }
0x36: {  	[tilespmem:s13], [sflag:$0x1] =	stream.indirect_vreg.gather [hbm:s3], $0x80, v0, vm0, $0x38;
	[tilespmem:$0x8100] =	vst v63  }
0x37: {  	s13 =	sadd.s32 $0x400, s13  }
0x38: {  	[tilespmem:s13], [sflag:$0x1] =	stream.indirect_vreg.gather [hbm:s3], $0x80, v0, vm1, $0x38;
	[tilespmem:$0x8100] =	vst v63  }
0x39: {  	s12 =	sshll.u32 s12, $0x4;
	s14 =	simm.s32 $0x80;
	_ =	swait.ge [sflag:s4], $0x4000  }
0x3a: {  	s15 =	simm.s32 $0x4500;
	s12 =	sadd.s32 s12, s7;
	[sflag:s4] =	ssyncset.done $0x0  }
0x3b: {  	s16 =	sadd.s32 $0x0, s12;
	s13 =	simm.s32 $0x4100;
	[sflag:s4] =	ssyncadd.s32 $0xFFFFC000  }
.LBB2_7:
0x3c: {  	[hbm:s16] =	stream.linear.scatter [tilespmem:s13], [sflag:$0x3], $0x400, $0x38;
	[tilespmem:$0x8100] =	vst v63  }
0x3d: {  	s16 =	smov.u32 s14;
	s13 =	smov.u32 s15;
	p0 =	sne.s32 s14, $0x780  }
.Ltmp5:
0x3e: {  	s14 =	sadd.s32 $0x80, s14;
	(pc) =	sbr.rel @p0 .LBB2_7-.Ltmp5, $2  }
0x3f: {  	_ =	sdelay $0x2  }
0x40: {  	s15 =	sadd.s32 $0x400, s15;
	s16 =	sadd.s32 s16, s12  }
.Ltmp6:
0x41: {  	(pc) =	sbr.rel .LBB2_9-.Ltmp6, $2  }
0x42: {  	_ =	sdelay $0x2  }
0x43: {  	[hbm:s16] =	stream.linear.scatter [tilespmem:s13], [sflag:$0x3], $0x400, $0x38;
	[tilespmem:$0x8100] =	vst v63  }
.LBB2_2:
.Ltmp7:
0x44: {  	(pc) =	sbr.rel .LBB2_10-.Ltmp7, $4  }
0x45: {  	_ = 	snop  }
0x46: {  	s12 =	sshrl.u32 s11, $0x3  }
0x47: {  	s13 =	sand.u32 $0x7, s11;
	s12 =	sadd.s32 s2, s12  }
0x48: {  	[tilespmem:s9], [sflag:$0x2] =	stream.linear.gather [hbm4b:s12+s13], $0x80, $0x38;
	[tilespmem:$0x8100] =	vst v63  }
.LBB2_11:
0x49: {  	s2 =	simm.s32 $0x3  }
0x4a: {  	_ =	swait.ge [sflag:s2], $0x4000  }
0x4b: {  	[sflag:s2] =	ssyncset.done $0x0  }
0x4c: {  	[sflag:s2] =	ssyncadd.s32 $0xFFFFC000  }
0x4d: {  	_ =	sfence.sel $0x180000  }
0x4e: {  	s3 =	simm.s32 $0x2;
	[bflag:$0x0] =	sbarrier.arrive $0xFFFF  }
0x4f: {  	[sflag:s3] =	ssyncpa.u1 $0x1  }
0x50: {  	s31 =	simm.s32 $0x1;
	[sflag:s2] =	ssyncpa.u1 $0x1  }
0x51: {  	[sflag:s31] =	ssyncpa.u1 $0x1  }
0x52: {  	p0 =	sne.s32 s1, $0x0;
	_ =	strace $0x9000004D  }
0x53: {  	s0 =	sadd.s32 @!p0 $0x100000, s0;
	[bflag:$0x2] =	sbarrier.arrive $0xFFFF  }
0x54: {  	[sflag:s0] =	ssyncadd.tile.s32 @!p0 $0x1;
	_ =	shalt  }
.Lfunc_end2:
_tile_overlayer_lowered:
.L_overlay_start_2:
0x55: {  	(tag) =	ssettag $0x2  }
0x56: {  	s0 =	rddreg [dreg:$0x0];
	s2 =	stileid.u32  }
0x57: {  	s1 =	rddreg [dreg:$0x1];
	p0 =	sne.s32 s2, $0x0  }
0x58: {  	s3 =	rddreg [dreg:$0x2];
	[bflag:$0x3] =	sbarrier.arrive $0xFFFF;
	s2 =	simm.s32 @!p0 $0x1C01  }
0x59: {  	[timem:s3], [sflag:s2] =	dma.local @!p0 [hbm:s0], s1  }
0x5a: {  	s0 =	simm.s32 @!p0 $0x1  }
0x5b: {  	_ =	swait.ge @!p0 [sflag:s0], s1  }
0x5c: {  	s1 =	ssub.s32 @!p0 $0x0, s1;
	[sflag:s0] =	ssyncset.done @!p0 $0x0  }
0x5d: {  	[sflag:s0] =	ssyncadd.s32 @!p0 s1  }
0x5e: {  	[bflag:$0x3] =	sbarrier.arrive $0xFFFF  }
0x5f: {  	_ =	shalt  }

// kernel: gather_offload_async_start.4
scs
__scs_entry_jumppad:
0x0: {  	(pc) =	sbr.rel $0x88, $3  }
0x1: {  	(tag) =	ssettag $0x0;
	lr =	simm.s32 $0x1  }
0x2: {  	[smem:$0x3F97] =	sst lr;
	_ =	strace $0xD0000000  }
0x3: {  	_ = 	snop  }
0x4: {  	_ = 	snop  }
0x5: {  	_ = 	snop  }
0x6: {  	_ = 	snop  }
0x7: {  	_ = 	snop  }
__scs_overlays_trampoline_lowered:
0x8: {  	[smem:$0x3FA6] =	sst s0  }
0x9: {  	[smem:$0x3FA7] =	sst s1  }
0xa: {  	[smem:$0x3FA8] =	sst s2  }
0xb: {  	[smem:$0x3FA9] =	sst s3  }
0xc: {  	[smem:$0x3FAA] =	sst s4  }
0xd: {  	[smem:$0x3FAB] =	sst s5  }
0xe: {  	[smem:$0x3FAC] =	sst s6  }
0xf: {  	[smem:$0x3FAD] =	sst s7  }
0x10: {  	[smem:$0x3FAE] =	sst s8  }
0x11: {  	[smem:$0x3FAF] =	sst s9;
	s0 =	simm.s32 @!p0 $0x0  }
0x12: {  	s1 =	sld [smem:$0x3F95];
	s0 =	simm.s32 @p0 $0x1  }
0x13: {  	[smem:$0x3FB0] =	sst s0;
	s0 =	simm.s32 @!p1 $0x0  }
0x14: {  	s2 =	sld [smem:$0x3F94];
	s0 =	simm.s32 @p1 $0x1  }
0x15: {  	[smem:$0x3FB1] =	sst s0;
	s0 =	simm.s32 @!p2 $0x0  }
0x16: {  	s3 =	sld [smem:$0x3FDB];
	s0 =	simm.s32 @p2 $0x1  }
0x17: {  	s4 =	simm.s32 $0x1BF5;
	[smem:$0x3FB3] =	sst s0  }
0x18: {  	s0 =	sld [smem:$0x3F96];
	_ =	swait.ge [sflag:s4], $0x0  }
0x19: {  	s7 =	sld [smem:$0x3F97]  }
0x1a: {  	s8 =	sadd.s32 $0xFFFFE003, lr  }
0x1b: {  	s9 =	sadd.s32 $0xFFFFFEF7, lr;
	s5 =	simm.s32 $0xFFFFFFFF;
	p2 =	slt.u32 s8, $0xFFFFF086  }
0x1c: {  	p1 =	slt.u32 s9, $0xF7A;
	s5 =	simm.s32 @!p2 $0x0  }
0x1d: {  	s5 =	simm.s32 @p1 $0x1;
	p0 =	seq.s32 s7, s2  }
0x1e: {  	s7 =	smul.u32 @!p0 $0xF7A, s2;
	p2 =	seq.s32 @!p0 s5, $0x0  }
0x1f: {  	s9 =	smul.u32 $0xF7A, s1;
	s8 =	simm.s32 @!p0 $0x1BF5;
	p2 =	por !p2, p0  }
0x20: {  	[sflag:s8] =	ssyncset.s32 @!p0 $0xFFFFF086;
	s6 =	sadd.s32 @!p0 s3, s7;
	s7 =	simm.s32 @!p0 $0x108  }
0x21: {  	s3 =	sadd.s32 s3, s9;
	s6 =	sadd.s32 @!p0 $0x88, s6;
	s7 =	simm.s32 @p2 $0x1082  }
0x22: {  	[simem:s7], [sflag:s8] =	dma.local @!p0 [hbm:s6], $0xF7A  }
0x23: {  	s9 =	sor.u32 $0xD0000000, s2;
	s6 =	simm.s32 $0x108;
	_ =	swait.ge @!p0 [sflag:s8], $0x0  }
0x24: {  	s3 =	sadd.s32 $0x88, s3;
	s6 =	simm.s32 @!p1 $0x1082;
	[sflag:s4] =	ssyncset.s32 $0xFFFFF086  }
0x25: {  	[simem:s6], [sflag:s4] =	dma.local [hbm:s3], $0xF7A  }
0x26: {  	[smem:$0x3F97] =	sst s1;
	(tag) =	ssettag s2;
	_ =	strace s9  }
0x27: {  	s1 =	sld [smem:$0x3FA7]  }
0x28: {  	s2 =	sld [smem:$0x3FA8]  }
0x29: {  	s4 =	sld [smem:$0x3FAA]  }
0x2a: {  	p0 =	seq.s32 s5, $0x0;
	s5 =	sld [smem:$0x3FAB]  }
0x2b: {  	s6 =	sld [smem:$0x3FAC]  }
0x2c: {  	s7 =	sld [smem:$0x3FAD]  }
0x2d: {  	s3 =	simm.s32 $0x108;
	s8 =	sld [smem:$0x3FAE]  }
0x2e: {  	s3 =	simm.s32 @!p0 $0x1082;
	s9 =	sld [smem:$0x3FAF]  }
0x2f: {  	lr =	sadd.s32 s0, s3;
	s0 =	sld [smem:$0x3FA6]  }
0x30: {  	s3 =	sld [smem:$0x3FA9]  }
0x31: {  	[smem:$0x3FB2] =	sst s10  }
0x32: {  	s10 =	sld [smem:$0x3FB0];
	_ =	sdelay $0x3  }
0x33: {  	p0 =	seq.s32 s10, $0x1;
	s10 =	sld [smem:$0x3FB2];
	_ =	sdelay $0x3  }
0x34: {  	[smem:$0x3FB2] =	sst s10  }
0x35: {  	s10 =	sld [smem:$0x3FB1];
	_ =	sdelay $0x3  }
0x36: {  	p1 =	seq.s32 s10, $0x1;
	s10 =	sld [smem:$0x3FB2];
	_ =	sdelay $0x3  }
0x37: {  	[smem:$0x3FB2] =	sst s10  }
0x38: {  	s10 =	sld [smem:$0x3FB3]  }
0x39: {  	_ = 	snop;
	(pc) =	sbr.ind lr, $3  }
0x3a: {  	_ = 	snop  }
0x3b: {  	_ = 	snop  }
0x3c: {  	p2 =	seq.s32 s10, $0x1;
	s10 =	sld [smem:$0x3FB2]  }
0x3d: {  	_ =	shalt  }
0x3e: {  	_ =	shalt  }
0x3f: {  	_ =	shalt  }
0x40: {  	_ =	shalt  }
0x41: {  	_ =	shalt  }
0x42: {  	_ =	shalt  }
0x43: {  	_ =	shalt  }
0x44: {  	_ =	shalt  }
0x45: {  	_ =	shalt  }
0x46: {  	_ =	shalt  }
0x47: {  	_ =	shalt  }
0x48: {  	_ =	shalt  }
0x49: {  	_ =	shalt  }
0x4a: {  	_ =	shalt  }
0x4b: {  	_ =	shalt  }
0x4c: {  	_ =	shalt  }
0x4d: {  	_ =	shalt  }
0x4e: {  	_ =	shalt  }
0x4f: {  	_ =	shalt  }
0x50: {  	_ =	shalt  }
0x51: {  	_ =	shalt  }
0x52: {  	_ =	shalt  }
0x53: {  	_ =	shalt  }
0x54: {  	_ =	shalt  }
0x55: {  	_ =	shalt  }
0x56: {  	_ =	shalt  }
0x57: {  	_ =	shalt  }
0x58: {  	_ =	shalt  }
0x59: {  	_ =	shalt  }
0x5a: {  	_ =	shalt  }
0x5b: {  	_ =	shalt  }
0x5c: {  	_ =	shalt  }
0x5d: {  	_ =	shalt  }
0x5e: {  	_ =	shalt  }
0x5f: {  	_ =	shalt  }
0x60: {  	_ =	shalt  }
0x61: {  	_ =	shalt  }
0x62: {  	_ =	shalt  }
0x63: {  	_ =	shalt  }
0x64: {  	_ =	shalt  }
0x65: {  	_ =	shalt  }
0x66: {  	_ =	shalt  }
0x67: {  	_ =	shalt  }
0x68: {  	_ =	shalt  }
0x69: {  	_ =	shalt  }
0x6a: {  	_ =	shalt  }
0x6b: {  	_ =	shalt  }
0x6c: {  	_ =	shalt  }
0x6d: {  	_ =	shalt  }
0x6e: {  	_ =	shalt  }
0x6f: {  	_ =	shalt  }
0x70: {  	_ =	shalt  }
0x71: {  	_ =	shalt  }
0x72: {  	_ =	shalt  }
0x73: {  	_ =	shalt  }
0x74: {  	_ =	shalt  }
0x75: {  	_ =	shalt  }
0x76: {  	_ =	shalt  }
0x77: {  	_ =	shalt  }
0x78: {  	_ =	shalt  }
0x79: {  	_ =	shalt  }
0x7a: {  	_ =	shalt  }
0x7b: {  	_ =	shalt  }
0x7c: {  	_ =	shalt  }
0x7d: {  	_ =	shalt  }
0x7e: {  	_ =	shalt  }
0x7f: {  	_ =	shalt  }
0x80: {  	_ =	shalt  }
0x81: {  	_ =	shalt  }
0x82: {  	_ =	shalt  }
0x83: {  	_ =	shalt  }
0x84: {  	_ =	shalt  }
0x85: {  	_ =	shalt  }
0x86: {  	_ =	shalt  }
0x87: {  	_ =	shalt  }
.Lfunc_end0:
.L_simem_size_0:
called_computation.4_lowered:
.L_overlay_start_0:
0x88: {  	s2 =	sld [smem:$0x3FD9]  }
0x89: {  	s3 =	sld [smem:$0x3FFE];
	_ =	sdelay $0x1  }
0x8a: {  	s1 =	srdreg.scid  }
0x8b: {  	s0 =	sand.u32 $0x1, s1  }
0x8c: {  	s15 =	sshll.u32 s0, $0xA;
	s2 =	sadd.s32 s3, s2  }
0x8d: {  	s2 =	sadd.s32 s2, s15  }
0x8e: {  	[smem:$0x3FBE] =	sst s2  }
0x8f: {  	_ = 	snop  }
0x90: {  	s2 =	sld [smem:$0x3FD0];
	_ =	sdelay $0x2  }
0x91: {  	s16 =	simm.s32 $0xE;
	s4 =	simm.s32 $0x10  }
0x92: {  	[smem:s4], [sflag:s16] =	dma.local [hbm:s2], $0x1  }
0x93: {  	_ =	swait.eq [sflag:s16], $0x1  }
0x94: {  	[sflag:s16] =	ssyncset.done $0x0  }
0x95: {  	[sflag:s16] =	ssyncadd.s32 $0xFFFFFFFF  }
0x96: {  	s17 =	sld [smem:$0x17];
	(tm) =	ssettm $0x1  }
0x97: {  	s18 =	sld [smem:$0x3FFB];
	_ =	sdelay $0x3  }
0x98: {  	_ =	strace s18  }
0x99: {  	s2 =	sld [smem:$0x3FFC];
	_ =	sdelay $0x3  }
0x9a: {  	_ =	strace s2  }
0x9b: {  	s2 =	sld [smem:$0x3FFD];
	_ =	sdelay $0x3  }
0x9c: {  	_ =	strace s2  }
0x9d: {  	_ =	strace $0x8FFFFFFF  }
0x9e: {  	s19 =	sld [smem:$0x3FDB];
	_ =	sdelay $0x1  }
0x9f: {  	s20 =	simm.s32 $_scs_section_size  }
0xa0: {  	s5 =	simm.s32 $_size__tile_overlayer_lowered;
	s6 =	simm.s32 $_tile_overlayer_lowered  }
0xa1: {  	s7 =	simm.s32 $0x1BFF;
	s21 =	sshll.u32 s6, $0x1;
	s4 =	sadd.s32 s20, s19  }
0xa2: {  	s22 =	simm.s32 $0x0;
	s5 =	sshll.u32 s5, $0x1;
	s6 =	sadd.s32 s21, s4  }
0xa3: {  	[timem:s22], [sflag:s7] =	dma.local [hbm:s6], s5  }
0xa4: {  	_ =	swait.ge [sflag:s7], s5  }
0xa5: {  	s5 =	ssub.s32 $0x0, s5;
	[sflag:s7] =	ssyncset.done $0x0  }
0xa6: {  	[sflag:s7] =	ssyncadd.s32 s5;
	_ =	sdelay $0x1  }
0xa7: {  	s23 =	simm.s32 $0x1B8B  }
0xa8: {  	_ =	swait.ge [sflag:s23], $0x1  }
0xa9: {  	[sflag:s23] =	ssyncset.done $0x0  }
0xaa: {  	[sflag:s23] =	ssyncadd.s32 $0xFFFFFFFF  }
0xab: {  	s5 =	sld [smem:$0x0]  }
0xac: {  	s6 =	sand.u32 $0xFFFFFFFE, s1  }
0xad: {  	p0 =	sne.s32 s1, s6  }
0xae: {  	s6 =	sshll.u32 @p0 s6, $0xE  }
0xaf: {  	s6 =	sadd.s32 @p0 $0x11B8D, s6;
	s7 =	sshll.u32 @p0 s5, $0x11  }
0xb0: {  	s6 =	sor.u32 @p0 s7, s6  }
0xb1: {  	[sflag:s6] =	ssyncadd.remote.s32 @p0 $0x1;
	_ =	sdelay $0x1  }
0xb2: {  	s6 =	simm.s32 @p0 $0x1B8D  }
0xb3: {  	_ =	swait.eq @p0 [sflag:s6], $0x1  }
0xb4: {  	[sflag:s6] =	ssyncadd.s32 @p0 $0xFFFFFFFF  }
0xb5: {  	s7 =	sshll.u32 @!p0 s1, $0xE  }
0xb6: {  	s7 =	sor.u32 @!p0 $0x4000, s7;
	s6 =	simm.s32 @!p0 $0x1B8D  }
0xb7: {  	s5 =	sshll.u32 @!p0 s5, $0x11;
	s7 =	sadd.s32 @!p0 $0x11B8D, s7;
	_ =	swait.eq @!p0 [sflag:s6], $0x1  }
0xb8: {  	s5 =	sor.u32 @!p0 s5, s7;
	[sflag:s6] =	ssyncadd.s32 @!p0 $0xFFFFFFFF  }
0xb9: {  	s25 =	simm.s32 $0x1B8E;
	s24 =	sld [smem:$0x3FFE];
	[sflag:s5] =	ssyncadd.remote.s32 @!p0 $0x1  }
0xba: {  	s26 =	simm.s32 $execute0_lowered;
	[smem:$0x3FD2] =	sst s25  }
0xbb: {  	s6 =	sshll.u32 s26, $0x1;
	_ =	strace $0x8000004F;
	[dreg:$0x1] =	wrdreg $0xFFFFFFFF  }
0xbc: {  	s28 =	simm.s32 $_size_execute0_lowered;
	s4 =	sadd.s32 s4, s6;
	[dreg:$0x0] =	wrdreg $0x0  }
0xbd: {  	s6 =	sshll.u32 s28, $0x1;
	[dreg:$0x2] =	wrdreg s4  }
0xbe: {  	[dreg:$0x3] =	wrdreg s6  }
0xbf: {  	[dreg:$0x4] =	wrdreg $0xC0  }
0xc0: {  	_ =	task [dreg:s22], $0x5FFFF  }
0xc1: {  	[dreg:$0x1] =	wrdreg $0xFFFFFFFF  }
0xc2: {  	[dreg:$0x0] =	wrdreg $0x60  }
0xc3: {  	[dreg:$0x2] =	wrdreg s24  }
0xc4: {  	[dreg:$0x3] =	wrdreg s17  }
0xc5: {  	[dreg:$0x4] =	wrdreg $0xC  }
0xc6: {  	_ =	task.clear_ibuf [dreg:s22], $0x5FFFF;
	_ =	strace $0x9000004F  }
0xc7: {  	s29 =	simm.s32 $0xC;
	_ =	strace $0x80000051  }
0xc8: {  	_ =	swait.ge [sflag:s29], $0x1  }
0xc9: {  	[sflag:s29] =	ssyncadd.s32 $0xFFFFFFFF  }
0xca: {  	_ =	strace $0x90000051  }
0xcb: {  	_ =	sfence  }
0xcc: {  	s30 =	sld [smem:$0x0];
	_ =	sdelay $0x2  }
0xcd: {  	s31 =	sshll.u32 s1, $0xD;
	s1 =	sshrl.u32 s1, $0x2  }
0xce: {  	s4 =	sand.u32 $0x4000, s31;
	s1 =	sadd.s32 s1, s30  }
0xcf: {  	s0 =	sor.u32 s4, s0;
	s1 =	sshll.u32 s1, $0x11  }
0xd0: {  	s0 =	sor.u32 s1, s0  }
0xd1: {  	s0 =	sadd.s32 $0x8F2B, s0  }
0xd2: {  	[sflag:s0] =	ssyncadd.remote.s32 $0x1  }
0xd3: {  	_ =	sfence.sel $0xFFFF  }
0xd4: {  	[dreg:$0x0] =	wrdreg $0xFFFFFFFF;
	(pc) =	sbr.abs _section_cstart, $3  }
0xd5: {  	[dreg:$0x1] =	wrdreg $0xFFFFFFFF  }
0xd6: {  	_ =	task.clear_ibuf [dreg:s22], $0x2FFFF;
	_ =	strace $0x9FFFFFFF  }
0xd7: {  	(tm) =	ssettm $0x7FFFFFFF  }
tec
execute0_lowered:
.L_overlay_start_1:
0x0: {  	(tag) =	ssettag $0x1  }
0x1: {  	s7 =	rddreg [dreg:$0x0]  }
0x2: {  	s2 =	rddreg [dreg:$0x1]  }
0x3: {  	s0 =	rddreg [dreg:$0x2]  }
0x4: {  	s1 =	srdreg.scid;
	_ =	strace $0x80000050;
	s4 =	simm.s32 $0x1  }
0x5: {  	s9 =	simm.s32 $0x3;
	s12 =	simm.s32 $0x0;
	s5 =	sshll.u32 s1, $0x4  }
.Ltmp0:
0x6: {  	s1 =	stileid.u32;
	s5 =	sand.u32 $0x10, s5;
	(pc) =	sbr.rel .LBB2_1-.Ltmp0, $4  }
0x7: {  	s10 =	simm.s32 $0x0;
	s3 =	sadd.s32 $0x4C7600, s7;
	s6 =	sor.u32 s1, s5  }
0x8: {  	[sflag:s4] =	ssyncpa.u1 $0x0;
	s5 =	simm.s32 $0x2;
	s6 =	sshll.u32 s6, $0x7  }
0x9: {  	s7 =	sadd.s32 $0x65A000, s7;
	[sflag:s5] =	ssyncpa.u1 $0x0;
	s8 =	sadd.s32 $0x80, s6  }
0xa: {  	vm0 =	vmmov $0xff;
	vm1 =	vcmask $0x3F20;
	[sflag:s9] =	ssyncpa.u1 $0x0;
	s9 =	simm.s32 $0x80;
	s11 =	smov.u32 s6  }
.LBB2_9:
0xb: {  	p0 =	seq.s32 s10, $0x2  }
.Ltmp1:
0xc: {  	_ = 	snop;
	(pc) =	sbr.rel @p0 .LBB2_11-.Ltmp1, $1  }
0xd: {  	_ =	sdelay $0x3  }
.LBB2_10:
0xe: {  	s12 =	sadd.s32 $0x80, s11  }
0xf: {  	s13 =	smov.u32 s6;
	p0 =	slt.s32 s12, s8  }
0x10: {  	s13 =	smov.u32 @p0 s12  }
0x11: {  	s10 =	sadd.s32 $0x1, s10;
	s12 =	smov.u32 s11;
	s11 =	smov.u32 s13  }
.LBB2_1:
0x12: {  	p0 =	sne.s32 s10, $0x0  }
.Ltmp2:
0x13: {  	_ = 	snop;
	(pc) =	sbr.rel @!p0 .LBB2_2-.Ltmp2, $1  }
0x14: {  	_ =	sdelay $0x3  }
0x15: {  	s13 =	sand.u32 $0x1, s10  }
0x16: {  	p0 =	seq.s32 s13, $0x0  }
.Ltmp3:
0x17: {  	_ = 	snop;
	(pc) =	sbr.rel @p0 .LBB2_9-.Ltmp3, $1  }
0x18: {  	_ =	sdelay $0x3  }
0x19: {  	_ =	swait.ge [sflag:s5], $0x80  }
0x1a: {  	[sflag:s5] =	ssyncset.done $0x0  }
0x1b: {  	s13 =	simm.s32 $0x0;
	[sflag:s5] =	ssyncadd.s32 $0xFFFFFF80  }
0x1c: {  	v0 =	vld.msk [tilespmem:s13+$0x80 ss:$0x1], $0xffff;
	_ =	sdelay $0x4  }
0x1d: {  	vm2 =	vgt.s32 v0, $0x0  }
0x1e: {  	v0 =	vnsel vm2, $0x0, v0  }
0x1f: {  	v0 =	vmin.u32 v0, $0x1869F  }
0x20: {  	v0 =	vshll.u32 v0, $0x4;
	_ =	sdelay $0x3  }
0x21: {  	s13 =	simm.s32 $0x4100  }
0x22: {  	[tilespmem:s13], [sflag:$0x1] =	stream.indirect_vreg.gather [hbm:s3], $0x80, v0, vm0, $0x38;
	[tilespmem:$0x8100] =	vst v63  }
0x23: {  	s14 =	simm.s32 $0x4500;
	s31 =	simm.s32 $0x10  }
0x24: {  	[tilespmem:s14], [sflag:$0x1] =	stream.indirect_vreg.gather [hbm:s3], $0x80, v0, vm1, $0x38;
	[tilespmem:$0x8100] =	vst v63  }
0x25: {  	s14 =	simm.s32 $0x80;
	v0 =	vld.msk [tilespmem:s31+$0x80 ss:$0x1], $0xffff  }
.LBB2_5:
0x26: {  	p0 =	sne.s32 s14, $0x1C0;
	_ =	sdelay $0x4  }
0x27: {  	vm2 =	vgt.s32 v0, $0x0  }
0x28: {  	v0 =	vnsel vm2, $0x0, v0  }
0x29: {  	v0 =	vmin.u32 v0, $0x1869F  }
0x2a: {  	v0 =	vshll.u32 v0, $0x4;
	_ =	sdelay $0x3  }
.Ltmp4:
0x2b: {  	s13 =	sadd.s32 $0x800, s13;
	(pc) =	sbr.rel @p0 .LBB2_5-.Ltmp4, $4  }
0x2c: {  	[tilespmem:s13], [sflag:$0x1] =	stream.indirect_vreg.gather [hbm:s3], $0x80, v0, vm0, $0x38;
	[tilespmem:$0x8100] =	vst v63  }
0x2d: {  	s15 =	sshra.s32 s14, $0x2;
	s16 =	sadd.s32 $0x400, s13  }
0x2e: {  	[tilespmem:s16], [sflag:$0x1] =	stream.indirect_vreg.gather [hbm:s3], $0x80, v0, vm1, $0x38;
	[tilespmem:$0x8100] =	vst v63  }
0x2f: {  	s14 =	sadd.s32 $0x40, s14;
	v0 =	vld.msk [tilespmem:s15+$0x80 ss:$0x1], $0xffff  }
0x30: {  	_ =	sdelay $0x3  }
0x31: {  	vm2 =	vgt.s32 v0, $0x0  }
0x32: {  	v0 =	vnsel vm2, $0x0, v0  }
0x33: {  	v0 =	vmin.u32 v0, $0x1869F  }
0x34: {  	v0 =	vshll.u32 v0, $0x4;
	_ =	sdelay $0x3  }
0x35: {  	s13 =	sadd.s32 $0x800, s13  }
0x36: {  	[tilespmem:s13], [sflag:$0x1] =	stream.indirect_vreg.gather [hbm:s3], $0x80, v0, vm0, $0x38;
	[tilespmem:$0x8100] =	vst v63  }
0x37: {  	s13 =	sadd.s32 $0x400, s13  }
0x38: {  	[tilespmem:s13], [sflag:$0x1] =	stream.indirect_vreg.gather [hbm:s3], $0x80, v0, vm1, $0x38;
	[tilespmem:$0x8100] =	vst v63  }
0x39: {  	s12 =	sshll.u32 s12, $0x4;
	s14 =	simm.s32 $0x80;
	_ =	swait.ge [sflag:s4], $0x4000  }
0x3a: {  	s15 =	simm.s32 $0x4500;
	s12 =	sadd.s32 s12, s7;
	[sflag:s4] =	ssyncset.done $0x0  }
0x3b: {  	s16 =	sadd.s32 $0x0, s12;
	s13 =	simm.s32 $0x4100;
	[sflag:s4] =	ssyncadd.s32 $0xFFFFC000  }
.LBB2_7:
0x3c: {  	[hbm:s16] =	stream.linear.scatter [tilespmem:s13], [sflag:$0x3], $0x400, $0x38;
	[tilespmem:$0x8100] =	vst v63  }
0x3d: {  	s16 =	smov.u32 s14;
	s13 =	smov.u32 s15;
	p0 =	sne.s32 s14, $0x780  }
.Ltmp5:
0x3e: {  	s14 =	sadd.s32 $0x80, s14;
	(pc) =	sbr.rel @p0 .LBB2_7-.Ltmp5, $2  }
0x3f: {  	_ =	sdelay $0x2  }
0x40: {  	s15 =	sadd.s32 $0x400, s15;
	s16 =	sadd.s32 s16, s12  }
.Ltmp6:
0x41: {  	(pc) =	sbr.rel .LBB2_9-.Ltmp6, $2  }
0x42: {  	_ =	sdelay $0x2  }
0x43: {  	[hbm:s16] =	stream.linear.scatter [tilespmem:s13], [sflag:$0x3], $0x400, $0x38;
	[tilespmem:$0x8100] =	vst v63  }
.LBB2_2:
.Ltmp7:
0x44: {  	(pc) =	sbr.rel .LBB2_10-.Ltmp7, $4  }
0x45: {  	_ = 	snop  }
0x46: {  	s12 =	sshrl.u32 s11, $0x3  }
0x47: {  	s13 =	sand.u32 $0x7, s11;
	s12 =	sadd.s32 s2, s12  }
0x48: {  	[tilespmem:s9], [sflag:$0x2] =	stream.linear.gather [hbm4b:s12+s13], $0x80, $0x38;
	[tilespmem:$0x8100] =	vst v63  }
.LBB2_11:
0x49: {  	s2 =	simm.s32 $0x3  }
0x4a: {  	_ =	swait.ge [sflag:s2], $0x4000  }
0x4b: {  	[sflag:s2] =	ssyncset.done $0x0  }
0x4c: {  	[sflag:s2] =	ssyncadd.s32 $0xFFFFC000  }
0x4d: {  	_ =	sfence.sel $0x180000  }
0x4e: {  	s3 =	simm.s32 $0x2;
	[bflag:$0x0] =	sbarrier.arrive $0xFFFF  }
0x4f: {  	[sflag:s3] =	ssyncpa.u1 $0x1  }
0x50: {  	s31 =	simm.s32 $0x1;
	[sflag:s2] =	ssyncpa.u1 $0x1  }
0x51: {  	[sflag:s31] =	ssyncpa.u1 $0x1  }
0x52: {  	p0 =	sne.s32 s1, $0x0;
	_ =	strace $0x90000050  }
0x53: {  	s0 =	sadd.s32 @!p0 $0x100000, s0;
	[bflag:$0x2] =	sbarrier.arrive $0xFFFF  }
0x54: {  	[sflag:s0] =	ssyncadd.tile.s32 @!p0 $0x1;
	_ =	shalt  }
.Lfunc_end2:
_tile_overlayer_lowered:
.L_overlay_start_2:
0x55: {  	(tag) =	ssettag $0x2  }
0x56: {  	s0 =	rddreg [dreg:$0x0];
	s2 =	stileid.u32  }
0x57: {  	s1 =	rddreg [dreg:$0x1];
	p0 =	sne.s32 s2, $0x0  }
0x58: {  	s3 =	rddreg [dreg:$0x2];
	[bflag:$0x3] =	sbarrier.arrive $0xFFFF;
	s2 =	simm.s32 @!p0 $0x1C01  }
0x59: {  	[timem:s3], [sflag:s2] =	dma.local @!p0 [hbm:s0], s1  }
0x5a: {  	s0 =	simm.s32 @!p0 $0x1  }
0x5b: {  	_ =	swait.ge @!p0 [sflag:s0], s1  }
0x5c: {  	s1 =	ssub.s32 @!p0 $0x0, s1;
	[sflag:s0] =	ssyncset.done @!p0 $0x0  }
0x5d: {  	[sflag:s0] =	ssyncadd.s32 @!p0 s1  }
0x5e: {  	[bflag:$0x3] =	sbarrier.arrive $0xFFFF  }
0x5f: {  	_ =	shalt  }

// kernel: gather_offload_async_start.5
scs
__scs_entry_jumppad:
0x0: {  	(pc) =	sbr.rel $0x88, $3  }
0x1: {  	(tag) =	ssettag $0x0;
	lr =	simm.s32 $0x1  }
0x2: {  	[smem:$0x3F97] =	sst lr;
	_ =	strace $0xD0000000  }
0x3: {  	_ = 	snop  }
0x4: {  	_ = 	snop  }
0x5: {  	_ = 	snop  }
0x6: {  	_ = 	snop  }
0x7: {  	_ = 	snop  }
__scs_overlays_trampoline_lowered:
0x8: {  	[smem:$0x3FA6] =	sst s0  }
0x9: {  	[smem:$0x3FA7] =	sst s1  }
0xa: {  	[smem:$0x3FA8] =	sst s2  }
0xb: {  	[smem:$0x3FA9] =	sst s3  }
0xc: {  	[smem:$0x3FAA] =	sst s4  }
0xd: {  	[smem:$0x3FAB] =	sst s5  }
0xe: {  	[smem:$0x3FAC] =	sst s6  }
0xf: {  	[smem:$0x3FAD] =	sst s7  }
0x10: {  	[smem:$0x3FAE] =	sst s8  }
0x11: {  	[smem:$0x3FAF] =	sst s9;
	s0 =	simm.s32 @!p0 $0x0  }
0x12: {  	s1 =	sld [smem:$0x3F95];
	s0 =	simm.s32 @p0 $0x1  }
0x13: {  	[smem:$0x3FB0] =	sst s0;
	s0 =	simm.s32 @!p1 $0x0  }
0x14: {  	s2 =	sld [smem:$0x3F94];
	s0 =	simm.s32 @p1 $0x1  }
0x15: {  	[smem:$0x3FB1] =	sst s0;
	s0 =	simm.s32 @!p2 $0x0  }
0x16: {  	s3 =	sld [smem:$0x3FDB];
	s0 =	simm.s32 @p2 $0x1  }
0x17: {  	s4 =	simm.s32 $0x1BF5;
	[smem:$0x3FB3] =	sst s0  }
0x18: {  	s0 =	sld [smem:$0x3F96];
	_ =	swait.ge [sflag:s4], $0x0  }
0x19: {  	s7 =	sld [smem:$0x3F97]  }
0x1a: {  	s8 =	sadd.s32 $0xFFFFE003, lr  }
0x1b: {  	s9 =	sadd.s32 $0xFFFFFEF7, lr;
	s5 =	simm.s32 $0xFFFFFFFF;
	p2 =	slt.u32 s8, $0xFFFFF086  }
0x1c: {  	p1 =	slt.u32 s9, $0xF7A;
	s5 =	simm.s32 @!p2 $0x0  }
0x1d: {  	s5 =	simm.s32 @p1 $0x1;
	p0 =	seq.s32 s7, s2  }
0x1e: {  	s7 =	smul.u32 @!p0 $0xF7A, s2;
	p2 =	seq.s32 @!p0 s5, $0x0  }
0x1f: {  	s9 =	smul.u32 $0xF7A, s1;
	s8 =	simm.s32 @!p0 $0x1BF5;
	p2 =	por !p2, p0  }
0x20: {  	[sflag:s8] =	ssyncset.s32 @!p0 $0xFFFFF086;
	s6 =	sadd.s32 @!p0 s3, s7;
	s7 =	simm.s32 @!p0 $0x108  }
0x21: {  	s3 =	sadd.s32 s3, s9;
	s6 =	sadd.s32 @!p0 $0x88, s6;
	s7 =	simm.s32 @p2 $0x1082  }
0x22: {  	[simem:s7], [sflag:s8] =	dma.local @!p0 [hbm:s6], $0xF7A  }
0x23: {  	s9 =	sor.u32 $0xD0000000, s2;
	s6 =	simm.s32 $0x108;
	_ =	swait.ge @!p0 [sflag:s8], $0x0  }
0x24: {  	s3 =	sadd.s32 $0x88, s3;
	s6 =	simm.s32 @!p1 $0x1082;
	[sflag:s4] =	ssyncset.s32 $0xFFFFF086  }
0x25: {  	[simem:s6], [sflag:s4] =	dma.local [hbm:s3], $0xF7A  }
0x26: {  	[smem:$0x3F97] =	sst s1;
	(tag) =	ssettag s2;
	_ =	strace s9  }
0x27: {  	s1 =	sld [smem:$0x3FA7]  }
0x28: {  	s2 =	sld [smem:$0x3FA8]  }
0x29: {  	s4 =	sld [smem:$0x3FAA]  }
0x2a: {  	p0 =	seq.s32 s5, $0x0;
	s5 =	sld [smem:$0x3FAB]  }
0x2b: {  	s6 =	sld [smem:$0x3FAC]  }
0x2c: {  	s7 =	sld [smem:$0x3FAD]  }
0x2d: {  	s3 =	simm.s32 $0x108;
	s8 =	sld [smem:$0x3FAE]  }
0x2e: {  	s3 =	simm.s32 @!p0 $0x1082;
	s9 =	sld [smem:$0x3FAF]  }
0x2f: {  	lr =	sadd.s32 s0, s3;
	s0 =	sld [smem:$0x3FA6]  }
0x30: {  	s3 =	sld [smem:$0x3FA9]  }
0x31: {  	[smem:$0x3FB2] =	sst s10  }
0x32: {  	s10 =	sld [smem:$0x3FB0];
	_ =	sdelay $0x3  }
0x33: {  	p0 =	seq.s32 s10, $0x1;
	s10 =	sld [smem:$0x3FB2];
	_ =	sdelay $0x3  }
0x34: {  	[smem:$0x3FB2] =	sst s10  }
0x35: {  	s10 =	sld [smem:$0x3FB1];
	_ =	sdelay $0x3  }
0x36: {  	p1 =	seq.s32 s10, $0x1;
	s10 =	sld [smem:$0x3FB2];
	_ =	sdelay $0x3  }
0x37: {  	[smem:$0x3FB2] =	sst s10  }
0x38: {  	s10 =	sld [smem:$0x3FB3]  }
0x39: {  	_ = 	snop;
	(pc) =	sbr.ind lr, $3  }
0x3a: {  	_ = 	snop  }
0x3b: {  	_ = 	snop  }
0x3c: {  	p2 =	seq.s32 s10, $0x1;
	s10 =	sld [smem:$0x3FB2]  }
0x3d: {  	_ =	shalt  }
0x3e: {  	_ =	shalt  }
0x3f: {  	_ =	shalt  }
0x40: {  	_ =	shalt  }
0x41: {  	_ =	shalt  }
0x42: {  	_ =	shalt  }
0x43: {  	_ =	shalt  }
0x44: {  	_ =	shalt  }
0x45: {  	_ =	shalt  }
0x46: {  	_ =	shalt  }
0x47: {  	_ =	shalt  }
0x48: {  	_ =	shalt  }
0x49: {  	_ =	shalt  }
0x4a: {  	_ =	shalt  }
0x4b: {  	_ =	shalt  }
0x4c: {  	_ =	shalt  }
0x4d: {  	_ =	shalt  }
0x4e: {  	_ =	shalt  }
0x4f: {  	_ =	shalt  }
0x50: {  	_ =	shalt  }
0x51: {  	_ =	shalt  }
0x52: {  	_ =	shalt  }
0x53: {  	_ =	shalt  }
0x54: {  	_ =	shalt  }
0x55: {  	_ =	shalt  }
0x56: {  	_ =	shalt  }
0x57: {  	_ =	shalt  }
0x58: {  	_ =	shalt  }
0x59: {  	_ =	shalt  }
0x5a: {  	_ =	shalt  }
0x5b: {  	_ =	shalt  }
0x5c: {  	_ =	shalt  }
0x5d: {  	_ =	shalt  }
0x5e: {  	_ =	shalt  }
0x5f: {  	_ =	shalt  }
0x60: {  	_ =	shalt  }
0x61: {  	_ =	shalt  }
0x62: {  	_ =	shalt  }
0x63: {  	_ =	shalt  }
0x64: {  	_ =	shalt  }
0x65: {  	_ =	shalt  }
0x66: {  	_ =	shalt  }
0x67: {  	_ =	shalt  }
0x68: {  	_ =	shalt  }
0x69: {  	_ =	shalt  }
0x6a: {  	_ =	shalt  }
0x6b: {  	_ =	shalt  }
0x6c: {  	_ =	shalt  }
0x6d: {  	_ =	shalt  }
0x6e: {  	_ =	shalt  }
0x6f: {  	_ =	shalt  }
0x70: {  	_ =	shalt  }
0x71: {  	_ =	shalt  }
0x72: {  	_ =	shalt  }
0x73: {  	_ =	shalt  }
0x74: {  	_ =	shalt  }
0x75: {  	_ =	shalt  }
0x76: {  	_ =	shalt  }
0x77: {  	_ =	shalt  }
0x78: {  	_ =	shalt  }
0x79: {  	_ =	shalt  }
0x7a: {  	_ =	shalt  }
0x7b: {  	_ =	shalt  }
0x7c: {  	_ =	shalt  }
0x7d: {  	_ =	shalt  }
0x7e: {  	_ =	shalt  }
0x7f: {  	_ =	shalt  }
0x80: {  	_ =	shalt  }
0x81: {  	_ =	shalt  }
0x82: {  	_ =	shalt  }
0x83: {  	_ =	shalt  }
0x84: {  	_ =	shalt  }
0x85: {  	_ =	shalt  }
0x86: {  	_ =	shalt  }
0x87: {  	_ =	shalt  }
.Lfunc_end0:
.L_simem_size_0:
called_computation.5_lowered:
.L_overlay_start_0:
0x88: {  	s2 =	sld [smem:$0x3FD9]  }
0x89: {  	s3 =	sld [smem:$0x3FFE];
	_ =	sdelay $0x1  }
0x8a: {  	s1 =	srdreg.scid  }
0x8b: {  	s0 =	sand.u32 $0x1, s1  }
0x8c: {  	s15 =	sshll.u32 s0, $0xA;
	s2 =	sadd.s32 s3, s2  }
0x8d: {  	s2 =	sadd.s32 s2, s15  }
0x8e: {  	[smem:$0x3FBE] =	sst s2  }
0x8f: {  	_ = 	snop  }
0x90: {  	s2 =	sld [smem:$0x3FD0];
	_ =	sdelay $0x2  }
0x91: {  	s16 =	simm.s32 $0xE;
	s4 =	simm.s32 $0x10  }
0x92: {  	[smem:s4], [sflag:s16] =	dma.local [hbm:s2], $0x1  }
0x93: {  	_ =	swait.eq [sflag:s16], $0x1  }
0x94: {  	[sflag:s16] =	ssyncset.done $0x0  }
0x95: {  	[sflag:s16] =	ssyncadd.s32 $0xFFFFFFFF  }
0x96: {  	s17 =	sld [smem:$0x17];
	(tm) =	ssettm $0x1  }
0x97: {  	s18 =	sld [smem:$0x3FFB];
	_ =	sdelay $0x3  }
0x98: {  	_ =	strace s18  }
0x99: {  	s2 =	sld [smem:$0x3FFC];
	_ =	sdelay $0x3  }
0x9a: {  	_ =	strace s2  }
0x9b: {  	s2 =	sld [smem:$0x3FFD];
	_ =	sdelay $0x3  }
0x9c: {  	_ =	strace s2  }
0x9d: {  	_ =	strace $0x8FFFFFFF  }
0x9e: {  	s19 =	sld [smem:$0x3FDB];
	_ =	sdelay $0x1  }
0x9f: {  	s20 =	simm.s32 $_scs_section_size  }
0xa0: {  	s5 =	simm.s32 $_size__tile_overlayer_lowered;
	s6 =	simm.s32 $_tile_overlayer_lowered  }
0xa1: {  	s7 =	simm.s32 $0x1BFF;
	s21 =	sshll.u32 s6, $0x1;
	s4 =	sadd.s32 s20, s19  }
0xa2: {  	s22 =	simm.s32 $0x0;
	s5 =	sshll.u32 s5, $0x1;
	s6 =	sadd.s32 s21, s4  }
0xa3: {  	[timem:s22], [sflag:s7] =	dma.local [hbm:s6], s5  }
0xa4: {  	_ =	swait.ge [sflag:s7], s5  }
0xa5: {  	s5 =	ssub.s32 $0x0, s5;
	[sflag:s7] =	ssyncset.done $0x0  }
0xa6: {  	[sflag:s7] =	ssyncadd.s32 s5;
	_ =	sdelay $0x1  }
0xa7: {  	s23 =	simm.s32 $0x1B8B  }
0xa8: {  	_ =	swait.ge [sflag:s23], $0x1  }
0xa9: {  	[sflag:s23] =	ssyncset.done $0x0  }
0xaa: {  	[sflag:s23] =	ssyncadd.s32 $0xFFFFFFFF  }
0xab: {  	s5 =	sld [smem:$0x0]  }
0xac: {  	s6 =	sand.u32 $0xFFFFFFFE, s1  }
0xad: {  	p0 =	sne.s32 s1, s6  }
0xae: {  	s6 =	sshll.u32 @p0 s6, $0xE  }
0xaf: {  	s6 =	sadd.s32 @p0 $0x11B8D, s6;
	s7 =	sshll.u32 @p0 s5, $0x11  }
0xb0: {  	s6 =	sor.u32 @p0 s7, s6  }
0xb1: {  	[sflag:s6] =	ssyncadd.remote.s32 @p0 $0x1;
	_ =	sdelay $0x1  }
0xb2: {  	s6 =	simm.s32 @p0 $0x1B8D  }
0xb3: {  	_ =	swait.eq @p0 [sflag:s6], $0x1  }
0xb4: {  	[sflag:s6] =	ssyncadd.s32 @p0 $0xFFFFFFFF  }
0xb5: {  	s7 =	sshll.u32 @!p0 s1, $0xE  }
0xb6: {  	s7 =	sor.u32 @!p0 $0x4000, s7;
	s6 =	simm.s32 @!p0 $0x1B8D  }
0xb7: {  	s5 =	sshll.u32 @!p0 s5, $0x11;
	s7 =	sadd.s32 @!p0 $0x11B8D, s7;
	_ =	swait.eq @!p0 [sflag:s6], $0x1  }
0xb8: {  	s5 =	sor.u32 @!p0 s5, s7;
	[sflag:s6] =	ssyncadd.s32 @!p0 $0xFFFFFFFF  }
0xb9: {  	s25 =	simm.s32 $0x1B8E;
	s24 =	sld [smem:$0x3FFE];
	[sflag:s5] =	ssyncadd.remote.s32 @!p0 $0x1  }
0xba: {  	s26 =	simm.s32 $execute0_lowered;
	[smem:$0x3FD2] =	sst s25  }
0xbb: {  	s6 =	sshll.u32 s26, $0x1;
	_ =	strace $0x80000052;
	[dreg:$0x1] =	wrdreg $0xFFFFFFFF  }
0xbc: {  	s28 =	simm.s32 $_size_execute0_lowered;
	s4 =	sadd.s32 s4, s6;
	[dreg:$0x0] =	wrdreg $0x0  }
0xbd: {  	s6 =	sshll.u32 s28, $0x1;
	[dreg:$0x2] =	wrdreg s4  }
0xbe: {  	[dreg:$0x3] =	wrdreg s6  }
0xbf: {  	[dreg:$0x4] =	wrdreg $0xC0  }
0xc0: {  	_ =	task [dreg:s22], $0x5FFFF  }
0xc1: {  	[dreg:$0x1] =	wrdreg $0xFFFFFFFF  }
0xc2: {  	[dreg:$0x0] =	wrdreg $0x60  }
0xc3: {  	[dreg:$0x2] =	wrdreg s24  }
0xc4: {  	[dreg:$0x3] =	wrdreg s17  }
0xc5: {  	[dreg:$0x4] =	wrdreg $0xD  }
0xc6: {  	_ =	task.clear_ibuf [dreg:s22], $0x5FFFF;
	_ =	strace $0x90000052  }
0xc7: {  	s29 =	simm.s32 $0xD;
	_ =	strace $0x80000054  }
0xc8: {  	_ =	swait.ge [sflag:s29], $0x1  }
0xc9: {  	[sflag:s29] =	ssyncadd.s32 $0xFFFFFFFF  }
0xca: {  	_ =	strace $0x90000054  }
0xcb: {  	_ =	sfence  }
0xcc: {  	s30 =	sld [smem:$0x0];
	_ =	sdelay $0x2  }
0xcd: {  	s31 =	sshll.u32 s1, $0xD;
	s1 =	sshrl.u32 s1, $0x2  }
0xce: {  	s4 =	sand.u32 $0x4000, s31;
	s1 =	sadd.s32 s1, s30  }
0xcf: {  	s0 =	sor.u32 s4, s0;
	s1 =	sshll.u32 s1, $0x11  }
0xd0: {  	s0 =	sor.u32 s1, s0  }
0xd1: {  	s0 =	sadd.s32 $0x8F2B, s0  }
0xd2: {  	[sflag:s0] =	ssyncadd.remote.s32 $0x1  }
0xd3: {  	_ =	sfence.sel $0xFFFF  }
0xd4: {  	[dreg:$0x0] =	wrdreg $0xFFFFFFFF;
	(pc) =	sbr.abs _section_cstart, $3  }
0xd5: {  	[dreg:$0x1] =	wrdreg $0xFFFFFFFF  }
0xd6: {  	_ =	task.clear_ibuf [dreg:s22], $0x2FFFF;
	_ =	strace $0x9FFFFFFF  }
0xd7: {  	(tm) =	ssettm $0x7FFFFFFF  }
tec
execute0_lowered:
.L_overlay_start_1:
0x0: {  	(tag) =	ssettag $0x1  }
0x1: {  	s7 =	rddreg [dreg:$0x0]  }
0x2: {  	s2 =	rddreg [dreg:$0x1]  }
0x3: {  	s0 =	rddreg [dreg:$0x2]  }
0x4: {  	s1 =	srdreg.scid;
	_ =	strace $0x80000053;
	s4 =	simm.s32 $0x1  }
0x5: {  	s9 =	simm.s32 $0x3;
	s12 =	simm.s32 $0x0;
	s5 =	sshll.u32 s1, $0x4  }
.Ltmp0:
0x6: {  	s1 =	stileid.u32;
	s5 =	sand.u32 $0x10, s5;
	(pc) =	sbr.rel .LBB2_1-.Ltmp0, $4  }
0x7: {  	s10 =	simm.s32 $0x0;
	s3 =	sadd.s32 $0x676000, s7;
	s6 =	sor.u32 s1, s5  }
0x8: {  	[sflag:s4] =	ssyncpa.u1 $0x0;
	s5 =	simm.s32 $0x2;
	s6 =	sshll.u32 s6, $0x7  }
0x9: {  	s7 =	sadd.s32 $0x983400, s7;
	[sflag:s5] =	ssyncpa.u1 $0x0;
	s8 =	sadd.s32 $0x80, s6  }
0xa: {  	vm0 =	vmmov $0xff;
	vm1 =	vcmask $0x3F20;
	[sflag:s9] =	ssyncpa.u1 $0x0;
	s9 =	simm.s32 $0x80;
	s11 =	smov.u32 s6  }
.LBB2_9:
0xb: {  	p0 =	seq.s32 s10, $0x2  }
.Ltmp1:
0xc: {  	_ = 	snop;
	(pc) =	sbr.rel @p0 .LBB2_11-.Ltmp1, $1  }
0xd: {  	_ =	sdelay $0x3  }
.LBB2_10:
0xe: {  	s12 =	sadd.s32 $0x80, s11  }
0xf: {  	s13 =	smov.u32 s6;
	p0 =	slt.s32 s12, s8  }
0x10: {  	s13 =	smov.u32 @p0 s12  }
0x11: {  	s10 =	sadd.s32 $0x1, s10;
	s12 =	smov.u32 s11;
	s11 =	smov.u32 s13  }
.LBB2_1:
0x12: {  	p0 =	sne.s32 s10, $0x0  }
.Ltmp2:
0x13: {  	_ = 	snop;
	(pc) =	sbr.rel @!p0 .LBB2_2-.Ltmp2, $1  }
0x14: {  	_ =	sdelay $0x3  }
0x15: {  	s13 =	sand.u32 $0x1, s10  }
0x16: {  	p0 =	seq.s32 s13, $0x0  }
.Ltmp3:
0x17: {  	_ = 	snop;
	(pc) =	sbr.rel @p0 .LBB2_9-.Ltmp3, $1  }
0x18: {  	_ =	sdelay $0x3  }
0x19: {  	_ =	swait.ge [sflag:s5], $0x80  }
0x1a: {  	[sflag:s5] =	ssyncset.done $0x0  }
0x1b: {  	s13 =	simm.s32 $0x0;
	[sflag:s5] =	ssyncadd.s32 $0xFFFFFF80  }
0x1c: {  	v0 =	vld.msk [tilespmem:s13+$0x80 ss:$0x1], $0xffff;
	_ =	sdelay $0x4  }
0x1d: {  	vm2 =	vgt.s32 v0, $0x0  }
0x1e: {  	v0 =	vnsel vm2, $0x0, v0  }
0x1f: {  	v0 =	vmin.u32 v0, $0x1869F  }
0x20: {  	v0 =	vshll.u32 v0, $0x4;
	_ =	sdelay $0x3  }
0x21: {  	s13 =	simm.s32 $0x4100  }
0x22: {  	[tilespmem:s13], [sflag:$0x1] =	stream.indirect_vreg.gather [hbm:s3], $0x80, v0, vm0, $0x38;
	[tilespmem:$0x8100] =	vst v63  }
0x23: {  	s14 =	simm.s32 $0x4500;
	s31 =	simm.s32 $0x10  }
0x24: {  	[tilespmem:s14], [sflag:$0x1] =	stream.indirect_vreg.gather [hbm:s3], $0x80, v0, vm1, $0x38;
	[tilespmem:$0x8100] =	vst v63  }
0x25: {  	s14 =	simm.s32 $0x80;
	v0 =	vld.msk [tilespmem:s31+$0x80 ss:$0x1], $0xffff  }
.LBB2_5:
0x26: {  	p0 =	sne.s32 s14, $0x1C0;
	_ =	sdelay $0x4  }
0x27: {  	vm2 =	vgt.s32 v0, $0x0  }
0x28: {  	v0 =	vnsel vm2, $0x0, v0  }
0x29: {  	v0 =	vmin.u32 v0, $0x1869F  }
0x2a: {  	v0 =	vshll.u32 v0, $0x4;
	_ =	sdelay $0x3  }
.Ltmp4:
0x2b: {  	s13 =	sadd.s32 $0x800, s13;
	(pc) =	sbr.rel @p0 .LBB2_5-.Ltmp4, $4  }
0x2c: {  	[tilespmem:s13], [sflag:$0x1] =	stream.indirect_vreg.gather [hbm:s3], $0x80, v0, vm0, $0x38;
	[tilespmem:$0x8100] =	vst v63  }
0x2d: {  	s15 =	sshra.s32 s14, $0x2;
	s16 =	sadd.s32 $0x400, s13  }
0x2e: {  	[tilespmem:s16], [sflag:$0x1] =	stream.indirect_vreg.gather [hbm:s3], $0x80, v0, vm1, $0x38;
	[tilespmem:$0x8100] =	vst v63  }
0x2f: {  	s14 =	sadd.s32 $0x40, s14;
	v0 =	vld.msk [tilespmem:s15+$0x80 ss:$0x1], $0xffff  }
0x30: {  	_ =	sdelay $0x3  }
0x31: {  	vm2 =	vgt.s32 v0, $0x0  }
0x32: {  	v0 =	vnsel vm2, $0x0, v0  }
0x33: {  	v0 =	vmin.u32 v0, $0x1869F  }
0x34: {  	v0 =	vshll.u32 v0, $0x4;
	_ =	sdelay $0x3  }
0x35: {  	s13 =	sadd.s32 $0x800, s13  }
0x36: {  	[tilespmem:s13], [sflag:$0x1] =	stream.indirect_vreg.gather [hbm:s3], $0x80, v0, vm0, $0x38;
	[tilespmem:$0x8100] =	vst v63  }
0x37: {  	s13 =	sadd.s32 $0x400, s13  }
0x38: {  	[tilespmem:s13], [sflag:$0x1] =	stream.indirect_vreg.gather [hbm:s3], $0x80, v0, vm1, $0x38;
	[tilespmem:$0x8100] =	vst v63  }
0x39: {  	s12 =	sshll.u32 s12, $0x4;
	s14 =	simm.s32 $0x80;
	_ =	swait.ge [sflag:s4], $0x4000  }
0x3a: {  	s15 =	simm.s32 $0x4500;
	s12 =	sadd.s32 s12, s7;
	[sflag:s4] =	ssyncset.done $0x0  }
0x3b: {  	s16 =	sadd.s32 $0x0, s12;
	s13 =	simm.s32 $0x4100;
	[sflag:s4] =	ssyncadd.s32 $0xFFFFC000  }
.LBB2_7:
0x3c: {  	[hbm:s16] =	stream.linear.scatter [tilespmem:s13], [sflag:$0x3], $0x400, $0x38;
	[tilespmem:$0x8100] =	vst v63  }
0x3d: {  	s16 =	smov.u32 s14;
	s13 =	smov.u32 s15;
	p0 =	sne.s32 s14, $0x780  }
.Ltmp5:
0x3e: {  	s14 =	sadd.s32 $0x80, s14;
	(pc) =	sbr.rel @p0 .LBB2_7-.Ltmp5, $2  }
0x3f: {  	_ =	sdelay $0x2  }
0x40: {  	s15 =	sadd.s32 $0x400, s15;
	s16 =	sadd.s32 s16, s12  }
.Ltmp6:
0x41: {  	(pc) =	sbr.rel .LBB2_9-.Ltmp6, $2  }
0x42: {  	_ =	sdelay $0x2  }
0x43: {  	[hbm:s16] =	stream.linear.scatter [tilespmem:s13], [sflag:$0x3], $0x400, $0x38;
	[tilespmem:$0x8100] =	vst v63  }
.LBB2_2:
.Ltmp7:
0x44: {  	(pc) =	sbr.rel .LBB2_10-.Ltmp7, $4  }
0x45: {  	_ = 	snop  }
0x46: {  	s12 =	sshrl.u32 s11, $0x3  }
0x47: {  	s13 =	sand.u32 $0x7, s11;
	s12 =	sadd.s32 s2, s12  }
0x48: {  	[tilespmem:s9], [sflag:$0x2] =	stream.linear.gather [hbm4b:s12+s13], $0x80, $0x38;
	[tilespmem:$0x8100] =	vst v63  }
.LBB2_11:
0x49: {  	s2 =	simm.s32 $0x3  }
0x4a: {  	_ =	swait.ge [sflag:s2], $0x4000  }
0x4b: {  	[sflag:s2] =	ssyncset.done $0x0  }
0x4c: {  	[sflag:s2] =	ssyncadd.s32 $0xFFFFC000  }
0x4d: {  	_ =	sfence.sel $0x180000  }
0x4e: {  	s3 =	simm.s32 $0x2;
	[bflag:$0x0] =	sbarrier.arrive $0xFFFF  }
0x4f: {  	[sflag:s3] =	ssyncpa.u1 $0x1  }
0x50: {  	s31 =	simm.s32 $0x1;
	[sflag:s2] =	ssyncpa.u1 $0x1  }
0x51: {  	[sflag:s31] =	ssyncpa.u1 $0x1  }
0x52: {  	p0 =	sne.s32 s1, $0x0;
	_ =	strace $0x90000053  }
0x53: {  	s0 =	sadd.s32 @!p0 $0x100000, s0;
	[bflag:$0x2] =	sbarrier.arrive $0xFFFF  }
0x54: {  	[sflag:s0] =	ssyncadd.tile.s32 @!p0 $0x1;
	_ =	shalt  }
.Lfunc_end2:
_tile_overlayer_lowered:
.L_overlay_start_2:
0x55: {  	(tag) =	ssettag $0x2  }
0x56: {  	s0 =	rddreg [dreg:$0x0];
	s2 =	stileid.u32  }
0x57: {  	s1 =	rddreg [dreg:$0x1];
	p0 =	sne.s32 s2, $0x0  }
0x58: {  	s3 =	rddreg [dreg:$0x2];
	[bflag:$0x3] =	sbarrier.arrive $0xFFFF;
	s2 =	simm.s32 @!p0 $0x1C01  }
0x59: {  	[timem:s3], [sflag:s2] =	dma.local @!p0 [hbm:s0], s1  }
0x5a: {  	s0 =	simm.s32 @!p0 $0x1  }
0x5b: {  	_ =	swait.ge @!p0 [sflag:s0], s1  }
0x5c: {  	s1 =	ssub.s32 @!p0 $0x0, s1;
	[sflag:s0] =	ssyncset.done @!p0 $0x0  }
0x5d: {  	[sflag:s0] =	ssyncadd.s32 @!p0 s1  }
0x5e: {  	[bflag:$0x3] =	sbarrier.arrive $0xFFFF  }
0x5f: {  	_ =	shalt  }

// kernel: gather_offload_async_start
scs
__scs_entry_jumppad:
0x0: {  	(pc) =	sbr.rel $0x88, $3  }
0x1: {  	(tag) =	ssettag $0x0;
	lr =	simm.s32 $0x1  }
0x2: {  	[smem:$0x3F97] =	sst lr;
	_ =	strace $0xD0000000  }
0x3: {  	_ = 	snop  }
0x4: {  	_ = 	snop  }
0x5: {  	_ = 	snop  }
0x6: {  	_ = 	snop  }
0x7: {  	_ = 	snop  }
__scs_overlays_trampoline_lowered:
0x8: {  	[smem:$0x3FA6] =	sst s0  }
0x9: {  	[smem:$0x3FA7] =	sst s1  }
0xa: {  	[smem:$0x3FA8] =	sst s2  }
0xb: {  	[smem:$0x3FA9] =	sst s3  }
0xc: {  	[smem:$0x3FAA] =	sst s4  }
0xd: {  	[smem:$0x3FAB] =	sst s5  }
0xe: {  	[smem:$0x3FAC] =	sst s6  }
0xf: {  	[smem:$0x3FAD] =	sst s7  }
0x10: {  	[smem:$0x3FAE] =	sst s8  }
0x11: {  	[smem:$0x3FAF] =	sst s9;
	s0 =	simm.s32 @!p0 $0x0  }
0x12: {  	s1 =	sld [smem:$0x3F95];
	s0 =	simm.s32 @p0 $0x1  }
0x13: {  	[smem:$0x3FB0] =	sst s0;
	s0 =	simm.s32 @!p1 $0x0  }
0x14: {  	s2 =	sld [smem:$0x3F94];
	s0 =	simm.s32 @p1 $0x1  }
0x15: {  	[smem:$0x3FB1] =	sst s0;
	s0 =	simm.s32 @!p2 $0x0  }
0x16: {  	s3 =	sld [smem:$0x3FDB];
	s0 =	simm.s32 @p2 $0x1  }
0x17: {  	s4 =	simm.s32 $0x1BF5;
	[smem:$0x3FB3] =	sst s0  }
0x18: {  	s0 =	sld [smem:$0x3F96];
	_ =	swait.ge [sflag:s4], $0x0  }
0x19: {  	s7 =	sld [smem:$0x3F97]  }
0x1a: {  	s8 =	sadd.s32 $0xFFFFE003, lr  }
0x1b: {  	s9 =	sadd.s32 $0xFFFFFEF7, lr;
	s5 =	simm.s32 $0xFFFFFFFF;
	p2 =	slt.u32 s8, $0xFFFFF086  }
0x1c: {  	p1 =	slt.u32 s9, $0xF7A;
	s5 =	simm.s32 @!p2 $0x0  }
0x1d: {  	s5 =	simm.s32 @p1 $0x1;
	p0 =	seq.s32 s7, s2  }
0x1e: {  	s7 =	smul.u32 @!p0 $0xF7A, s2;
	p2 =	seq.s32 @!p0 s5, $0x0  }
0x1f: {  	s9 =	smul.u32 $0xF7A, s1;
	s8 =	simm.s32 @!p0 $0x1BF5;
	p2 =	por !p2, p0  }
0x20: {  	[sflag:s8] =	ssyncset.s32 @!p0 $0xFFFFF086;
	s6 =	sadd.s32 @!p0 s3, s7;
	s7 =	simm.s32 @!p0 $0x108  }
0x21: {  	s3 =	sadd.s32 s3, s9;
	s6 =	sadd.s32 @!p0 $0x88, s6;
	s7 =	simm.s32 @p2 $0x1082  }
0x22: {  	[simem:s7], [sflag:s8] =	dma.local @!p0 [hbm:s6], $0xF7A  }
0x23: {  	s9 =	sor.u32 $0xD0000000, s2;
	s6 =	simm.s32 $0x108;
	_ =	swait.ge @!p0 [sflag:s8], $0x0  }
0x24: {  	s3 =	sadd.s32 $0x88, s3;
	s6 =	simm.s32 @!p1 $0x1082;
	[sflag:s4] =	ssyncset.s32 $0xFFFFF086  }
0x25: {  	[simem:s6], [sflag:s4] =	dma.local [hbm:s3], $0xF7A  }
0x26: {  	[smem:$0x3F97] =	sst s1;
	(tag) =	ssettag s2;
	_ =	strace s9  }
0x27: {  	s1 =	sld [smem:$0x3FA7]  }
0x28: {  	s2 =	sld [smem:$0x3FA8]  }
0x29: {  	s4 =	sld [smem:$0x3FAA]  }
0x2a: {  	p0 =	seq.s32 s5, $0x0;
	s5 =	sld [smem:$0x3FAB]  }
0x2b: {  	s6 =	sld [smem:$0x3FAC]  }
0x2c: {  	s7 =	sld [smem:$0x3FAD]  }
0x2d: {  	s3 =	simm.s32 $0x108;
	s8 =	sld [smem:$0x3FAE]  }
0x2e: {  	s3 =	simm.s32 @!p0 $0x1082;
	s9 =	sld [smem:$0x3FAF]  }
0x2f: {  	lr =	sadd.s32 s0, s3;
	s0 =	sld [smem:$0x3FA6]  }
0x30: {  	s3 =	sld [smem:$0x3FA9]  }
0x31: {  	[smem:$0x3FB2] =	sst s10  }
0x32: {  	s10 =	sld [smem:$0x3FB0];
	_ =	sdelay $0x3  }
0x33: {  	p0 =	seq.s32 s10, $0x1;
	s10 =	sld [smem:$0x3FB2];
	_ =	sdelay $0x3  }
0x34: {  	[smem:$0x3FB2] =	sst s10  }
0x35: {  	s10 =	sld [smem:$0x3FB1];
	_ =	sdelay $0x3  }
0x36: {  	p1 =	seq.s32 s10, $0x1;
	s10 =	sld [smem:$0x3FB2];
	_ =	sdelay $0x3  }
0x37: {  	[smem:$0x3FB2] =	sst s10  }
0x38: {  	s10 =	sld [smem:$0x3FB3]  }
0x39: {  	_ = 	snop;
	(pc) =	sbr.ind lr, $3  }
0x3a: {  	_ = 	snop  }
0x3b: {  	_ = 	snop  }
0x3c: {  	p2 =	seq.s32 s10, $0x1;
	s10 =	sld [smem:$0x3FB2]  }
0x3d: {  	_ =	shalt  }
0x3e: {  	_ =	shalt  }
0x3f: {  	_ =	shalt  }
0x40: {  	_ =	shalt  }
0x41: {  	_ =	shalt  }
0x42: {  	_ =	shalt  }
0x43: {  	_ =	shalt  }
0x44: {  	_ =	shalt  }
0x45: {  	_ =	shalt  }
0x46: {  	_ =	shalt  }
0x47: {  	_ =	shalt  }
0x48: {  	_ =	shalt  }
0x49: {  	_ =	shalt  }
0x4a: {  	_ =	shalt  }
0x4b: {  	_ =	shalt  }
0x4c: {  	_ =	shalt  }
0x4d: {  	_ =	shalt  }
0x4e: {  	_ =	shalt  }
0x4f: {  	_ =	shalt  }
0x50: {  	_ =	shalt  }
0x51: {  	_ =	shalt  }
0x52: {  	_ =	shalt  }
0x53: {  	_ =	shalt  }
0x54: {  	_ =	shalt  }
0x55: {  	_ =	shalt  }
0x56: {  	_ =	shalt  }
0x57: {  	_ =	shalt  }
0x58: {  	_ =	shalt  }
0x59: {  	_ =	shalt  }
0x5a: {  	_ =	shalt  }
0x5b: {  	_ =	shalt  }
0x5c: {  	_ =	shalt  }
0x5d: {  	_ =	shalt  }
0x5e: {  	_ =	shalt  }
0x5f: {  	_ =	shalt  }
0x60: {  	_ =	shalt  }
0x61: {  	_ =	shalt  }
0x62: {  	_ =	shalt  }
0x63: {  	_ =	shalt  }
0x64: {  	_ =	shalt  }
0x65: {  	_ =	shalt  }
0x66: {  	_ =	shalt  }
0x67: {  	_ =	shalt  }
0x68: {  	_ =	shalt  }
0x69: {  	_ =	shalt  }
0x6a: {  	_ =	shalt  }
0x6b: {  	_ =	shalt  }
0x6c: {  	_ =	shalt  }
0x6d: {  	_ =	shalt  }
0x6e: {  	_ =	shalt  }
0x6f: {  	_ =	shalt  }
0x70: {  	_ =	shalt  }
0x71: {  	_ =	shalt  }
0x72: {  	_ =	shalt  }
0x73: {  	_ =	shalt  }
0x74: {  	_ =	shalt  }
0x75: {  	_ =	shalt  }
0x76: {  	_ =	shalt  }
0x77: {  	_ =	shalt  }
0x78: {  	_ =	shalt  }
0x79: {  	_ =	shalt  }
0x7a: {  	_ =	shalt  }
0x7b: {  	_ =	shalt  }
0x7c: {  	_ =	shalt  }
0x7d: {  	_ =	shalt  }
0x7e: {  	_ =	shalt  }
0x7f: {  	_ =	shalt  }
0x80: {  	_ =	shalt  }
0x81: {  	_ =	shalt  }
0x82: {  	_ =	shalt  }
0x83: {  	_ =	shalt  }
0x84: {  	_ =	shalt  }
0x85: {  	_ =	shalt  }
0x86: {  	_ =	shalt  }
0x87: {  	_ =	shalt  }
.Lfunc_end0:
.L_simem_size_0:
called_computation_lowered:
.L_overlay_start_0:
0x88: {  	s2 =	sld [smem:$0x3FD9]  }
0x89: {  	s3 =	sld [smem:$0x3FFE];
	_ =	sdelay $0x1  }
0x8a: {  	s1 =	srdreg.scid  }
0x8b: {  	s0 =	sand.u32 $0x1, s1  }
0x8c: {  	s14 =	sshll.u32 s0, $0xA;
	s2 =	sadd.s32 s3, s2  }
0x8d: {  	s2 =	sadd.s32 s2, s14  }
0x8e: {  	[smem:$0x3FBE] =	sst s2  }
0x8f: {  	_ = 	snop  }
0x90: {  	s2 =	sld [smem:$0x3FD0];
	_ =	sdelay $0x2  }
0x91: {  	s15 =	simm.s32 $0xE;
	s4 =	simm.s32 $0x10  }
0x92: {  	[smem:s4], [sflag:s15] =	dma.local [hbm:s2], $0x1  }
0x93: {  	_ =	swait.eq [sflag:s15], $0x1  }
0x94: {  	[sflag:s15] =	ssyncset.done $0x0  }
0x95: {  	[sflag:s15] =	ssyncadd.s32 $0xFFFFFFFF  }
0x96: {  	s16 =	sld [smem:$0x17];
	(tm) =	ssettm $0x1  }
0x97: {  	s17 =	sld [smem:$0x3FFB];
	_ =	sdelay $0x3  }
0x98: {  	_ =	strace s17  }
0x99: {  	s3 =	sld [smem:$0x3FFC];
	_ =	sdelay $0x3  }
0x9a: {  	_ =	strace s3  }
0x9b: {  	s3 =	sld [smem:$0x3FFD];
	_ =	sdelay $0x3  }
0x9c: {  	_ =	strace s3  }
0x9d: {  	_ =	strace $0x8FFFFFFF  }
0x9e: {  	s18 =	sld [smem:$0x3FDB];
	_ =	sdelay $0x1  }
0x9f: {  	s19 =	simm.s32 $_scs_section_size  }
0xa0: {  	s5 =	simm.s32 $_size__tile_overlayer_lowered;
	s6 =	simm.s32 $_tile_overlayer_lowered  }
0xa1: {  	s22 =	simm.s32 $0x1BFF;
	s21 =	sshll.u32 s6, $0x1;
	s3 =	sadd.s32 s19, s18  }
0xa2: {  	s7 =	simm.s32 $0x0;
	s20 =	sshll.u32 s5, $0x1;
	s5 =	sadd.s32 s21, s3  }
0xa3: {  	[timem:s7], [sflag:s22] =	dma.local [hbm:s5], s20  }
0xa4: {  	_ =	swait.ge [sflag:s22], s20  }
0xa5: {  	s4 =	ssub.s32 $0x0, s20;
	[sflag:s22] =	ssyncset.done $0x0  }
0xa6: {  	[sflag:s22] =	ssyncadd.s32 s4;
	_ =	sdelay $0x1  }
0xa7: {  	s23 =	simm.s32 $0x1B8B  }
0xa8: {  	_ =	swait.ge [sflag:s23], $0x1  }
0xa9: {  	[sflag:s23] =	ssyncset.done $0x0  }
0xaa: {  	s25 =	simm.s32 $0x1B8E;
	s24 =	sld [smem:$0x3FFE];
	[sflag:s23] =	ssyncadd.s32 $0xFFFFFFFF  }
0xab: {  	s26 =	simm.s32 $execute0_lowered;
	[smem:$0x3FD2] =	sst s25  }
0xac: {  	s5 =	sshll.u32 s26, $0x1;
	_ =	strace $0x80000055;
	[dreg:$0x1] =	wrdreg $0xFFFFFFFF  }
0xad: {  	s28 =	simm.s32 $_size_execute0_lowered;
	s3 =	sadd.s32 s3, s5;
	[dreg:$0x0] =	wrdreg $0x0  }
0xae: {  	s5 =	sshll.u32 s28, $0x1;
	[dreg:$0x2] =	wrdreg s3  }
0xaf: {  	[dreg:$0x3] =	wrdreg s5  }
0xb0: {  	[dreg:$0x4] =	wrdreg $0xC0  }
0xb1: {  	_ =	task [dreg:s7], $0x5FFFF  }
0xb2: {  	[dreg:$0x1] =	wrdreg $0xFFFFFFFF  }
0xb3: {  	[dreg:$0x0] =	wrdreg $0x60  }
0xb4: {  	[dreg:$0x2] =	wrdreg s24  }
0xb5: {  	[dreg:$0x3] =	wrdreg s16  }
0xb6: {  	[dreg:$0x4] =	wrdreg $0x9  }
0xb7: {  	_ =	task.clear_ibuf [dreg:s7], $0x5FFFF;
	_ =	strace $0x90000055  }
0xb8: {  	s29 =	simm.s32 $0x9;
	_ =	strace $0x80000057  }
0xb9: {  	_ =	swait.ge [sflag:s29], $0x1  }
0xba: {  	[sflag:s29] =	ssyncadd.s32 $0xFFFFFFFF  }
0xbb: {  	_ =	strace $0x90000057  }
0xbc: {  	_ =	sfence  }
0xbd: {  	s30 =	sld [smem:$0x0];
	_ =	sdelay $0x2  }
0xbe: {  	s31 =	sshll.u32 s1, $0xD;
	s1 =	sshrl.u32 s1, $0x2  }
0xbf: {  	s3 =	sand.u32 $0x4000, s31;
	s1 =	sadd.s32 s1, s30  }
0xc0: {  	s0 =	sor.u32 s3, s0;
	s1 =	sshll.u32 s1, $0x11  }
0xc1: {  	s0 =	sor.u32 s1, s0  }
0xc2: {  	s0 =	sadd.s32 $0x8F2B, s0  }
0xc3: {  	[sflag:s0] =	ssyncadd.remote.s32 $0x1  }
0xc4: {  	_ =	sfence.sel $0xFFFF  }
0xc5: {  	[dreg:$0x0] =	wrdreg $0xFFFFFFFF;
	(pc) =	sbr.abs _section_cstart, $3  }
0xc6: {  	[dreg:$0x1] =	wrdreg $0xFFFFFFFF  }
0xc7: {  	_ =	task.clear_ibuf [dreg:s7], $0x2FFFF;
	_ =	strace $0x9FFFFFFF  }
0xc8: {  	(tm) =	ssettm $0x7FFFFFFF  }
0xc9: {  	_ =	shalt  }
tec
execute0_lowered:
.L_overlay_start_1:
0x0: {  	(tag) =	ssettag $0x1  }
0x1: {  	s7 =	rddreg [dreg:$0x0]  }
0x2: {  	s2 =	rddreg [dreg:$0x1]  }
0x3: {  	s0 =	rddreg [dreg:$0x2]  }
0x4: {  	s1 =	srdreg.scid;
	_ =	strace $0x80000056;
	s4 =	simm.s32 $0x1  }
0x5: {  	s9 =	simm.s32 $0x3;
	s12 =	simm.s32 $0x0;
	s5 =	sshll.u32 s1, $0x4  }
.Ltmp0:
0x6: {  	s1 =	stileid.u32;
	s5 =	sand.u32 $0x10, s5;
	(pc) =	sbr.rel .LBB2_1-.Ltmp0, $4  }
0x7: {  	s10 =	simm.s32 $0x0;
	s3 =	sadd.s32 $0x7FCA00, s7;
	s6 =	sor.u32 s1, s5  }
0x8: {  	[sflag:s4] =	ssyncpa.u1 $0x0;
	s5 =	simm.s32 $0x2;
	s6 =	sshll.u32 s6, $0x7  }
0x9: {  	s7 =	sadd.s32 $0x3800, s7;
	[sflag:s5] =	ssyncpa.u1 $0x0;
	s8 =	sadd.s32 $0x80, s6  }
0xa: {  	vm0 =	vmmov $0xff;
	vm1 =	vcmask $0x3F20;
	[sflag:s9] =	ssyncpa.u1 $0x0;
	s9 =	simm.s32 $0x80;
	s11 =	smov.u32 s6  }
.LBB2_9:
0xb: {  	p0 =	seq.s32 s10, $0x2  }
.Ltmp1:
0xc: {  	_ = 	snop;
	(pc) =	sbr.rel @p0 .LBB2_11-.Ltmp1, $1  }
0xd: {  	_ =	sdelay $0x3  }
.LBB2_10:
0xe: {  	s12 =	sadd.s32 $0x80, s11  }
0xf: {  	s13 =	smov.u32 s6;
	p0 =	slt.s32 s12, s8  }
0x10: {  	s13 =	smov.u32 @p0 s12  }
0x11: {  	s10 =	sadd.s32 $0x1, s10;
	s12 =	smov.u32 s11;
	s11 =	smov.u32 s13  }
.LBB2_1:
0x12: {  	p0 =	sne.s32 s10, $0x0  }
.Ltmp2:
0x13: {  	_ = 	snop;
	(pc) =	sbr.rel @!p0 .LBB2_2-.Ltmp2, $1  }
0x14: {  	_ =	sdelay $0x3  }
0x15: {  	s13 =	sand.u32 $0x1, s10  }
0x16: {  	p0 =	seq.s32 s13, $0x0  }
.Ltmp3:
0x17: {  	_ = 	snop;
	(pc) =	sbr.rel @p0 .LBB2_9-.Ltmp3, $1  }
0x18: {  	_ =	sdelay $0x3  }
0x19: {  	_ =	swait.ge [sflag:s5], $0x80  }
0x1a: {  	[sflag:s5] =	ssyncset.done $0x0  }
0x1b: {  	s13 =	simm.s32 $0x0;
	[sflag:s5] =	ssyncadd.s32 $0xFFFFFF80  }
0x1c: {  	v0 =	vld.msk [tilespmem:s13+$0x80 ss:$0x1], $0xffff;
	_ =	sdelay $0x4  }
0x1d: {  	vm2 =	vgt.s32 v0, $0x0  }
0x1e: {  	v0 =	vnsel vm2, $0x0, v0  }
0x1f: {  	v0 =	vmin.u32 v0, $0x1869F  }
0x20: {  	v0 =	vshll.u32 v0, $0x4;
	_ =	sdelay $0x3  }
0x21: {  	s13 =	simm.s32 $0x4100  }
0x22: {  	[tilespmem:s13], [sflag:$0x1] =	stream.indirect_vreg.gather [hbm:s3], $0x80, v0, vm0, $0x38;
	[tilespmem:$0x8100] =	vst v63  }
0x23: {  	s14 =	simm.s32 $0x4500;
	s31 =	simm.s32 $0x10  }
0x24: {  	[tilespmem:s14], [sflag:$0x1] =	stream.indirect_vreg.gather [hbm:s3], $0x80, v0, vm1, $0x38;
	[tilespmem:$0x8100] =	vst v63  }
0x25: {  	s14 =	simm.s32 $0x80;
	v0 =	vld.msk [tilespmem:s31+$0x80 ss:$0x1], $0xffff  }
.LBB2_5:
0x26: {  	p0 =	sne.s32 s14, $0x1C0;
	_ =	sdelay $0x4  }
0x27: {  	vm2 =	vgt.s32 v0, $0x0  }
0x28: {  	v0 =	vnsel vm2, $0x0, v0  }
0x29: {  	v0 =	vmin.u32 v0, $0x1869F  }
0x2a: {  	v0 =	vshll.u32 v0, $0x4;
	_ =	sdelay $0x3  }
.Ltmp4:
0x2b: {  	s13 =	sadd.s32 $0x800, s13;
	(pc) =	sbr.rel @p0 .LBB2_5-.Ltmp4, $4  }
0x2c: {  	[tilespmem:s13], [sflag:$0x1] =	stream.indirect_vreg.gather [hbm:s3], $0x80, v0, vm0, $0x38;
	[tilespmem:$0x8100] =	vst v63  }
0x2d: {  	s15 =	sshra.s32 s14, $0x2;
	s16 =	sadd.s32 $0x400, s13  }
0x2e: {  	[tilespmem:s16], [sflag:$0x1] =	stream.indirect_vreg.gather [hbm:s3], $0x80, v0, vm1, $0x38;
	[tilespmem:$0x8100] =	vst v63  }
0x2f: {  	s14 =	sadd.s32 $0x40, s14;
	v0 =	vld.msk [tilespmem:s15+$0x80 ss:$0x1], $0xffff  }
0x30: {  	_ =	sdelay $0x3  }
0x31: {  	vm2 =	vgt.s32 v0, $0x0  }
0x32: {  	v0 =	vnsel vm2, $0x0, v0  }
0x33: {  	v0 =	vmin.u32 v0, $0x1869F  }
0x34: {  	v0 =	vshll.u32 v0, $0x4;
	_ =	sdelay $0x3  }
0x35: {  	s13 =	sadd.s32 $0x800, s13  }
0x36: {  	[tilespmem:s13], [sflag:$0x1] =	stream.indirect_vreg.gather [hbm:s3], $0x80, v0, vm0, $0x38;
	[tilespmem:$0x8100] =	vst v63  }
0x37: {  	s13 =	sadd.s32 $0x400, s13  }
0x38: {  	[tilespmem:s13], [sflag:$0x1] =	stream.indirect_vreg.gather [hbm:s3], $0x80, v0, vm1, $0x38;
	[tilespmem:$0x8100] =	vst v63  }
0x39: {  	s12 =	sshll.u32 s12, $0x4;
	s14 =	simm.s32 $0x80;
	_ =	swait.ge [sflag:s4], $0x4000  }
0x3a: {  	s15 =	simm.s32 $0x4500;
	s12 =	sadd.s32 s12, s7;
	[sflag:s4] =	ssyncset.done $0x0  }
0x3b: {  	s16 =	sadd.s32 $0x0, s12;
	s13 =	simm.s32 $0x4100;
	[sflag:s4] =	ssyncadd.s32 $0xFFFFC000  }
.LBB2_7:
0x3c: {  	[hbm:s16] =	stream.linear.scatter [tilespmem:s13], [sflag:$0x3], $0x400, $0x38;
	[tilespmem:$0x8100] =	vst v63  }
0x3d: {  	s16 =	smov.u32 s14;
	s13 =	smov.u32 s15;
	p0 =	sne.s32 s14, $0x780  }
.Ltmp5:
0x3e: {  	s14 =	sadd.s32 $0x80, s14;
	(pc) =	sbr.rel @p0 .LBB2_7-.Ltmp5, $2  }
0x3f: {  	_ =	sdelay $0x2  }
0x40: {  	s15 =	sadd.s32 $0x400, s15;
	s16 =	sadd.s32 s16, s12  }
.Ltmp6:
0x41: {  	(pc) =	sbr.rel .LBB2_9-.Ltmp6, $2  }
0x42: {  	_ =	sdelay $0x2  }
0x43: {  	[hbm:s16] =	stream.linear.scatter [tilespmem:s13], [sflag:$0x3], $0x400, $0x38;
	[tilespmem:$0x8100] =	vst v63  }
.LBB2_2:
.Ltmp7:
0x44: {  	(pc) =	sbr.rel .LBB2_10-.Ltmp7, $4  }
0x45: {  	_ = 	snop  }
0x46: {  	s12 =	sshrl.u32 s11, $0x3  }
0x47: {  	s13 =	sand.u32 $0x7, s11;
	s12 =	sadd.s32 s2, s12  }
0x48: {  	[tilespmem:s9], [sflag:$0x2] =	stream.linear.gather [hbm4b:s12+s13], $0x80, $0x38;
	[tilespmem:$0x8100] =	vst v63  }
.LBB2_11:
0x49: {  	s2 =	simm.s32 $0x3  }
0x4a: {  	_ =	swait.ge [sflag:s2], $0x4000  }
0x4b: {  	[sflag:s2] =	ssyncset.done $0x0  }
0x4c: {  	[sflag:s2] =	ssyncadd.s32 $0xFFFFC000  }
0x4d: {  	_ =	sfence.sel $0x180000  }
0x4e: {  	s3 =	simm.s32 $0x2;
	[bflag:$0x0] =	sbarrier.arrive $0xFFFF  }
0x4f: {  	[sflag:s3] =	ssyncpa.u1 $0x1  }
0x50: {  	s31 =	simm.s32 $0x1;
	[sflag:s2] =	ssyncpa.u1 $0x1  }
0x51: {  	[sflag:s31] =	ssyncpa.u1 $0x1  }
0x52: {  	p0 =	sne.s32 s1, $0x0;
	_ =	strace $0x90000056  }
0x53: {  	s0 =	sadd.s32 @!p0 $0x100000, s0;
	[bflag:$0x2] =	sbarrier.arrive $0xFFFF  }
0x54: {  	[sflag:s0] =	ssyncadd.tile.s32 @!p0 $0x1;
	_ =	shalt  }
.Lfunc_end2:
_tile_overlayer_lowered:
.L_overlay_start_2:
0x55: {  	(tag) =	ssettag $0x2  }
0x56: {  	s0 =	rddreg [dreg:$0x0];
	s2 =	stileid.u32  }
0x57: {  	s1 =	rddreg [dreg:$0x1];
	p0 =	sne.s32 s2, $0x0  }
0x58: {  	s3 =	rddreg [dreg:$0x2];
	[bflag:$0x3] =	sbarrier.arrive $0xFFFF;
	s2 =	simm.s32 @!p0 $0x1C01  }
0x59: {  	[timem:s3], [sflag:s2] =	dma.local @!p0 [hbm:s0], s1  }
0x5a: {  	s0 =	simm.s32 @!p0 $0x1  }
0x5b: {  	_ =	swait.ge @!p0 [sflag:s0], s1  }
0x5c: {  	s1 =	ssub.s32 @!p0 $0x0, s1;
	[sflag:s0] =	ssyncset.done @!p0 $0x0  }
0x5d: {  	[sflag:s0] =	ssyncadd.s32 @!p0 s1  }
0x5e: {  	[bflag:$0x3] =	sbarrier.arrive $0xFFFF  }
0x5f: {  	_ =	shalt  }

</sc_bundles>
